<compile_context>
chip_gen: v7x
topology: tpu7x:2x2x1
jax: 0.10.2.dev20260603
libtpu: 0.0.44.dev20260713+nightly
codegen_flags: <defaults>
</compile_context>

<pallas_src>
import numpy as np
import jax
import jax.numpy as jnp
from jax import lax
from jax.experimental import pallas as pl
from jax.experimental.pallas import tpu as pltpu
from jax.experimental.pallas import tpu_sc as plsc

N_NODES = 1024
N_FEAT = 496
INTER = 64
N_EDGES = 65536
ROI = 32

_iu0, _iu1 = np.triu_indices(ROI, k=1)
_S_np = np.zeros((N_FEAT, ROI * ROI), np.float32)
_S_np[np.arange(N_FEAT), _iu0 * ROI + _iu1] = 1.0
_S_np[np.arange(N_FEAT), _iu1 * ROI + _iu0] = 1.0


ROWS_PER_W = N_NODES // 16
E_HALF = N_EDGES // 2
N_CHUNKS = 4
CH = E_HALF // N_CHUNKS
UNROLL = 4


def _sc_count_body(src_hbm, dst_hbm, out_hbm, deg_hbm, src_v, dst_v, acc_v,
                   deg_v):
    cid = lax.axis_index("c")
    sid = lax.axis_index("s")
    lo = sid * ROWS_PER_W
    ebase = cid * E_HALF
    zeros16 = jnp.zeros((16,), jnp.float32)
    ones16 = jnp.ones((16,), jnp.float32)

    def zero_row(i, carry):
        for c in range(N_NODES // 16):
            acc_v[pl.ds(i * N_NODES + c * 16, 16)] = zeros16
        return carry

    lax.fori_loop(0, ROWS_PER_W, zero_row, 0)
    for c in range(ROWS_PER_W // 16):
        deg_v[pl.ds(c * 16, 16)] = zeros16

    for ck in range(N_CHUNKS):
        pltpu.sync_copy(src_hbm.at[pl.ds(ebase + ck * CH, CH)], src_v)
        pltpu.sync_copy(dst_hbm.at[pl.ds(ebase + ck * CH, CH)], dst_v)

        def body(i, carry):
            for u in range(UNROLL):
                s = src_v[pl.ds(i * (16 * UNROLL) + u * 16, 16)]
                d = dst_v[pl.ds(i * (16 * UNROLL) + u * 16, 16)]
                rel = d - lo
                m = (rel >= 0) & (rel < ROWS_PER_W)
                rc = jnp.where(m, rel, 0)
                flat = rc * N_NODES + jnp.where(m, s, 0)
                plsc.addupdate_scatter(acc_v, [flat], ones16, mask=m)
                plsc.addupdate_scatter(deg_v, [rc], ones16, mask=m)
            return carry

        lax.fori_loop(0, CH // (16 * UNROLL), body, 0)

    pltpu.sync_copy(
        acc_v,
        out_hbm.at[pl.ds((cid * N_NODES + lo) * N_NODES,
                         ROWS_PER_W * N_NODES)])
    pltpu.sync_copy(
        deg_v, deg_hbm.at[pl.ds(cid * N_NODES + lo, ROWS_PER_W)])


_SC_COUNT_CACHE = []


def _sc_count(src, dst):
    if not _SC_COUNT_CACHE:
        _SC_COUNT_CACHE.append(pl.kernel(
            _sc_count_body,
            out_type=(
                jax.ShapeDtypeStruct((2 * N_NODES * N_NODES,), jnp.float32),
                jax.ShapeDtypeStruct((2 * N_NODES,), jnp.float32),
            ),
            mesh=plsc.VectorSubcoreMesh(core_axis_name="c", subcore_axis_name="s"),
            compiler_params=pltpu.CompilerParams(needs_layout_passes=False),
            scratch_types=[
                pltpu.VMEM((CH,), jnp.int32),
                pltpu.VMEM((CH,), jnp.int32),
                pltpu.VMEM((ROWS_PER_W * N_NODES,), jnp.float32),
                pltpu.VMEM((ROWS_PER_W,), jnp.float32),
            ],
        ))
    return _SC_COUNT_CACHE[0](src, dst)



def _pre_body(x_ref, w1_ref, s_ref, xw_ref, xs_ref):
    x = x_ref[...]
    xw_ref[...] = jnp.dot(x, w1_ref[...], preferred_element_type=jnp.float32)
    xs_ref[...] = jnp.dot(x, s_ref[...], preferred_element_type=jnp.float32)


def _pre(x, W1, S):
    return pl.pallas_call(
        _pre_body,
        grid=(4,),
        in_specs=[
            pl.BlockSpec((N_NODES // 4, N_FEAT), lambda k: (k, 0)),
            pl.BlockSpec((N_FEAT, N_FEAT), lambda k: (0, 0)),
            pl.BlockSpec((N_FEAT, ROI * ROI), lambda k: (0, 0)),
        ],
        out_specs=(
            pl.BlockSpec((N_NODES // 4, N_FEAT), lambda k: (k, 0)),
            pl.BlockSpec((N_NODES // 4, ROI * ROI), lambda k: (k, 0)),
        ),
        out_shape=(
            jax.ShapeDtypeStruct((N_NODES, N_FEAT), jnp.float32),
            jax.ShapeDtypeStruct((N_NODES, ROI * ROI), jnp.float32),
        ),
    )(x, W1, S)


RB = 128
NRB = N_NODES // RB


def _dense_body(dcf_ref, xwf_ref, b1_ref, c0_ref, c1_ref,
                dc_ref, s_ref, z_ref, zs_ref, xws_ref):
    k = pl.program_id(0)

    @pl.when(k == 0)
    def _():
        dinv_all = lax.rsqrt(dcf_ref[...] + 1.0)
        xws_ref[...] = xwf_ref[...] * dinv_all

    C_blk = c0_ref[...] + c1_ref[...]
    dinv_col = lax.rsqrt(dc_ref[...] + 1.0)
    y = (jnp.dot(C_blk, xws_ref[...], preferred_element_type=jnp.float32)
         + xws_ref[pl.ds(k * RB, RB), :]) * dinv_col + b1_ref[...]
    z = jax.nn.sigmoid(y)
    z_ref[...] = z
    zs_ref[...] = jnp.dot(z, s_ref[...], preferred_element_type=jnp.float32)


def _dense(dc, xw, b1r, C2, S):
    return pl.pallas_call(
        _dense_body,
        grid=(NRB,),
        in_specs=[
            pl.BlockSpec((N_NODES, 1), lambda k: (0, 0)),
            pl.BlockSpec((N_NODES, N_FEAT), lambda k: (0, 0)),
            pl.BlockSpec((1, N_FEAT), lambda k: (0, 0)),
            pl.BlockSpec((RB, N_NODES), lambda k: (k, 0)),
            pl.BlockSpec((RB, N_NODES), lambda k: (k + NRB, 0)),
            pl.BlockSpec((RB, 1), lambda k: (k, 0)),
            pl.BlockSpec((N_FEAT, ROI * ROI), lambda k: (0, 0)),
        ],
        out_specs=(
            pl.BlockSpec((RB, N_FEAT), lambda k: (k, 0)),
            pl.BlockSpec((RB, ROI * ROI), lambda k: (k, 0)),
        ),
        out_shape=(
            jax.ShapeDtypeStruct((N_NODES, N_FEAT), jnp.float32),
            jax.ShapeDtypeStruct((N_NODES, ROI * ROI), jnp.float32),
        ),
        scratch_shapes=[pltpu.VMEM((N_NODES, N_FEAT), jnp.float32)],
    )(dc, xw, b1r, C2, C2, dc, S)



KF = N_NODES * N_FEAT
NBK = 16
NSTREAM = 4
BK = KF // (NBK * NSTREAM)


def _gemv_body(z0_ref, z1_ref, z2_ref, z3_ref,
               w0_ref, w1_ref, w2_ref, w3_ref,
               bl1_ref, wl2_ref, bl2_ref, s_ref,
               i1_ref, cbt_ref):
    k = pl.program_id(0)

    @pl.when(k == 0)
    def _():
        i1_ref[...] = jnp.zeros_like(i1_ref)

    acc = i1_ref[...]
    for zr, wr in ((z0_ref, w0_ref), (z1_ref, w1_ref),
                   (z2_ref, w2_ref), (z3_ref, w3_ref)):
        acc = acc + jax.lax.dot_general(
            wr[...], zr[0],
            dimension_numbers=(((1,), (1,)), ((), ())),
            preferred_element_type=jnp.float32)
    i1_ref[...] = acc

    @pl.when(k == NBK - 1)
    def _():
        i1 = jax.nn.sigmoid(i1_ref[...] + bl1_ref[...])
        i1_ref[...] = i1
        i2 = jax.nn.sigmoid(
            jax.lax.dot_general(
                i1, wl2_ref[...],
                dimension_numbers=(((0,), (0,)), ((), ())),
                preferred_element_type=jnp.float32)
            + bl2_ref[...])
        cbt_ref[...] = jnp.dot(i2, s_ref[...],
                               preferred_element_type=jnp.float32)


def _gemv(zf3, Wt, bl1c, Wl2, bl2r, S):
    zspec = [pl.BlockSpec((1, 1, BK),
                          (lambda j: (lambda k: (NSTREAM * k + j, 0, 0)))(j))
             for j in range(NSTREAM)]
    wspec = [pl.BlockSpec((INTER, BK),
                          (lambda j: (lambda k: (0, NSTREAM * k + j)))(j))
             for j in range(NSTREAM)]
    return pl.pallas_call(
        _gemv_body,
        grid=(NBK,),
        in_specs=zspec + wspec + [
            pl.BlockSpec((INTER, 1), lambda k: (0, 0)),
            pl.BlockSpec((INTER, N_FEAT), lambda k: (0, 0)),
            pl.BlockSpec((1, N_FEAT), lambda k: (0, 0)),
            pl.BlockSpec((N_FEAT, ROI * ROI), lambda k: (0, 0)),
        ],
        out_specs=(
            pl.BlockSpec((INTER, 1), lambda k: (0, 0)),
            pl.BlockSpec((1, ROI * ROI), lambda k: (0, 0)),
        ),
        out_shape=(
            jax.ShapeDtypeStruct((INTER, 1), jnp.float32),
            jax.ShapeDtypeStruct((1, ROI * ROI), jnp.float32),
        ),
    )(zf3, zf3, zf3, zf3, Wt, Wt, Wt, Wt, bl1c, Wl2, bl2r, S)




def kernel(x, edge_index, W1, b1, Wl1, bl1, Wl2, bl2):
    S = jnp.asarray(_S_np)
    src = edge_index[0]
    dst = edge_index[1]
    Cflat, deg2 = _sc_count(src, dst)
    xw, xs = _pre(x, W1, S)
    C2 = Cflat.reshape(2 * N_NODES, N_NODES)
    dc = (deg2[:N_NODES] + deg2[N_NODES:]).reshape(N_NODES, 1)
    z, zs = _dense(dc, xw, b1.reshape(1, -1), C2, S)
    zf3 = z.reshape(NBK * NSTREAM, 1, BK)
    Wt = Wl1.T
    i1, cbt = _gemv(zf3, Wt, bl1.reshape(-1, 1), Wl2,
                    bl2.reshape(1, -1), S)
    x_matrix = xs.reshape(N_NODES, ROI, ROI)
    z_matrix = zs.reshape(N_NODES, ROI, ROI)
    return (x_matrix, z_matrix, z_matrix, i1.reshape(INTER),
            cbt.reshape(ROI, ROI))

# --- scband reference (transcript-rebuilt; emitter-appended) ---
"""Pipeline reference for scband-model1-65077344469419 (READ-ONLY COPY).

The authoritative reference and input builder live on the scoring server;
editing this copy changes nothing except your own understanding.
"""

import jax, jax.numpy as jnp
import numpy as np

N_NODES = 1024
N_FEAT = 496
ROI = 32
CBT_RES = 32
INTER = 64
N_EDGES = 65536


def gcn_conv(x, edge_index, W, b):
    n = x.shape[0]
    src = edge_index[0]
    dst = edge_index[1]
    loop = jnp.arange(n, dtype=src.dtype)
    src = jnp.concatenate([src, loop])
    dst = jnp.concatenate([dst, loop])
    deg = jnp.zeros((n,), x.dtype).at[dst].add(1.0)
    dinv = jnp.where(deg > 0, deg ** -0.5, 0.0)
    norm = dinv[src] * dinv[dst]
    xw = x @ W
    msgs = xw[src] * norm[:, None]
    out = jnp.zeros_like(xw).at[dst].add(msgs)
    return out + b


def batch_anti_vectorize(v, m):
    iu = jnp.triu_indices(m, k=1)
    M = jnp.zeros((v.shape[0], m, m), v.dtype)
    M = M.at[:, iu[0], iu[1]].set(v)
    return M + jnp.transpose(M, (0, 2, 1))


def anti_vectorize(v, m):
    iu = jnp.triu_indices(m, k=1)
    M = jnp.zeros((m, m), v.dtype)
    M = M.at[iu[0], iu[1]].set(v)
    return M + M.T


def setup_inputs(seed: int = 0):
    key = jax.random.key(seed)
    ks = jax.random.split(key, 8)
    x = jax.random.uniform(ks[0], (N_NODES, N_FEAT), jnp.float32)
    edge_index = jax.random.randint(ks[1], (2, N_EDGES), 0, N_NODES, dtype=jnp.int32)
    W1 = jax.random.normal(ks[2], (N_FEAT, N_FEAT), jnp.float32) * 0.05
    b1 = jnp.zeros((N_FEAT,), jnp.float32)
    Wl1 = jax.random.normal(ks[3], (N_NODES * N_FEAT, INTER), jnp.float32) * 0.001
    bl1 = jnp.zeros((INTER,), jnp.float32)
    Wl2 = jax.random.normal(ks[4], (INTER, N_FEAT), jnp.float32) * 0.05
    bl2 = jnp.zeros((N_FEAT,), jnp.float32)
    return {"x": x, "edge_index": edge_index, "W1": W1, "b1": b1, "Wl1": Wl1, "bl1": bl1, "Wl2": Wl2, "bl2": bl2}


def reference(x, edge_index, W1, b1, Wl1, bl1, Wl2, bl2):
    # encode: GCNConv + sigmoid (dropout is identity in eval mode)
    z = jax.nn.sigmoid(gcn_conv(x, edge_index, W1, b1))
    # batch-based normalize: z has exactly batch_size rows, so no repeat needed
    zf = z.reshape(-1)
    i1 = jax.nn.sigmoid(zf @ Wl1 + bl1)
    i2 = jax.nn.sigmoid(i1 @ Wl2 + bl2)
    cbt = i2.reshape(1, -1)
    x_matrix = batch_anti_vectorize(x, ROI)
    z_matrix = batch_anti_vectorize(z, CBT_RES)
    cbt_matrix = anti_vectorize(cbt[0], CBT_RES)
    return (x_matrix, z_matrix, z_matrix, i1, cbt_matrix)

if __name__ == "__main__":
    import jax
    _d = setup_inputs()
    print(jax.jit(kernel)(*tuple(_d.values())))

</pallas_src>

<mosaic_0001>
#map = affine_map<(d0, d1) -> (0)>
module attributes {stable_mosaic.version = 14 : i64} {
  func.func @_sc_count_body(%arg0: i32, %arg1: i32, %arg2: memref<65536xi32, #tpu.memory_space<hbm>>, %arg3: memref<65536xi32, #tpu.memory_space<hbm>>, %arg4: memref<2097152xf32, #tpu.memory_space<hbm>>, %arg5: memref<2048xf32, #tpu.memory_space<hbm>>, %arg6: memref<8192xi32, #tpu.memory_space<vmem>>, %arg7: memref<8192xi32, #tpu.memory_space<vmem>>, %arg8: memref<65536xf32, #tpu.memory_space<vmem>>, %arg9: memref<64xf32, #tpu.memory_space<vmem>>) attributes {dimension_semantics = [#tpu.dimension_semantics<core_parallel>, #tpu.dimension_semantics<subcore_parallel>], iteration_bounds = array<i64: 2, 16>, scalar_prefetch = 0 : i64, scratch_operands = 4 : i64, tpu.core_type = #tpu.core_type<sc_vector_subcore>, window_params = [{transform_indices = #map}, {transform_indices = #map}, {transform_indices = #map}, {transform_indices = #map}]} {
    %mul3A = arith.constant 64 : i32
    %mul3A_0 = arith.muli %arg1, %mul3A : i32
    %mul3A_1 = arith.constant 32768 : i32
    %mul3A_2 = arith.muli %arg0, %mul3A_1 : i32
    %broadcast_in_dim3A = arith.constant 0.000000e+00 : f32
    %broadcast_in_dim3A_3 = vector.broadcast %broadcast_in_dim3A : f32 to vector<16xf32>
    %broadcast_in_dim3A_4 = arith.constant 1.000000e+00 : f32
    %broadcast_in_dim3A_5 = vector.broadcast %broadcast_in_dim3A_4 : f32 to vector<16xf32>
    %scan3A = arith.constant 0 : i32
    %scan3A_6 = arith.constant 0 : i32
    %scan3A_7 = arith.constant 64 : i32
    %scan3A_8 = arith.addi %scan3A_6, %scan3A_7 : i32
    %scan3A_9 = arith.constant 1 : i32
    scf.for %scan3A_65 = %scan3A_6 to %scan3A_8 step %scan3A_9  : i32 {
      %mul3A_66 = arith.constant 1024 : i32
      %mul3A_67 = arith.muli %scan3A_65, %mul3A_66 : i32
      %add3A_68 = arith.constant 0 : i32
      %add3A_69 = arith.addi %mul3A_67, %add3A_68 : i32
      %swap3A_70 = arith.index_cast %add3A_69 : i32 to index
      %swap3A_71 = tpu.vector_load %arg8[%swap3A_70] {strides = array<i32>} : memref<65536xf32, #tpu.memory_space<vmem>>, vector<16xf32>,
      tpu.vector_store %arg8[%swap3A_70], %broadcast_in_dim3A_3 {strides = array<i32>} : memref<65536xf32, #tpu.memory_space<vmem>>, vector<16xf32>,
      %mul3A_72 = arith.constant 1024 : i32
      %mul3A_73 = arith.muli %scan3A_65, %mul3A_72 : i32
      %add3A_74 = arith.constant 16 : i32
      %add3A_75 = arith.addi %mul3A_73, %add3A_74 : i32
      %swap3A_76 = arith.index_cast %add3A_75 : i32 to index
      %swap3A_77 = tpu.vector_load %arg8[%swap3A_76] {strides = array<i32>} : memref<65536xf32, #tpu.memory_space<vmem>>, vector<16xf32>,
      tpu.vector_store %arg8[%swap3A_76], %broadcast_in_dim3A_3 {strides = array<i32>} : memref<65536xf32, #tpu.memory_space<vmem>>, vector<16xf32>,
      %mul3A_78 = arith.constant 1024 : i32
      %mul3A_79 = arith.muli %scan3A_65, %mul3A_78 : i32
      %add3A_80 = arith.constant 32 : i32
      %add3A_81 = arith.addi %mul3A_79, %add3A_80 : i32
      %swap3A_82 = arith.index_cast %add3A_81 : i32 to index
      %swap3A_83 = tpu.vector_load %arg8[%swap3A_82] {strides = array<i32>} : memref<65536xf32, #tpu.memory_space<vmem>>, vector<16xf32>,
      tpu.vector_store %arg8[%swap3A_82], %broadcast_in_dim3A_3 {strides = array<i32>} : memref<65536xf32, #tpu.memory_space<vmem>>, vector<16xf32>,
      %mul3A_84 = arith.constant 1024 : i32
      %mul3A_85 = arith.muli %scan3A_65, %mul3A_84 : i32
      %add3A_86 = arith.constant 48 : i32
      %add3A_87 = arith.addi %mul3A_85, %add3A_86 : i32
      %swap3A_88 = arith.index_cast %add3A_87 : i32 to index
      %swap3A_89 = tpu.vector_load %arg8[%swap3A_88] {strides = array<i32>} : memref<65536xf32, #tpu.memory_space<vmem>>, vector<16xf32>,
      tpu.vector_store %arg8[%swap3A_88], %broadcast_in_dim3A_3 {strides = array<i32>} : memref<65536xf32, #tpu.memory_space<vmem>>, vector<16xf32>,
      %mul3A_90 = arith.constant 1024 : i32
      %mul3A_91 = arith.muli %scan3A_65, %mul3A_90 : i32
      %add3A_92 = arith.constant 64 : i32
      %add3A_93 = arith.addi %mul3A_91, %add3A_92 : i32
      %swap3A_94 = arith.index_cast %add3A_93 : i32 to index
      %swap3A_95 = tpu.vector_load %arg8[%swap3A_94] {strides = array<i32>} : memref<65536xf32, #tpu.memory_space<vmem>>, vector<16xf32>,
      tpu.vector_store %arg8[%swap3A_94], %broadcast_in_dim3A_3 {strides = array<i32>} : memref<65536xf32, #tpu.memory_space<vmem>>, vector<16xf32>,
      %mul3A_96 = arith.constant 1024 : i32
      %mul3A_97 = arith.muli %scan3A_65, %mul3A_96 : i32
      %add3A_98 = arith.constant 80 : i32
      %add3A_99 = arith.addi %mul3A_97, %add3A_98 : i32
      %swap3A_100 = arith.index_cast %add3A_99 : i32 to index
      %swap3A_101 = tpu.vector_load %arg8[%swap3A_100] {strides = array<i32>} : memref<65536xf32, #tpu.memory_space<vmem>>, vector<16xf32>,
      tpu.vector_store %arg8[%swap3A_100], %broadcast_in_dim3A_3 {strides = array<i32>} : memref<65536xf32, #tpu.memory_space<vmem>>, vector<16xf32>,
      %mul3A_102 = arith.constant 1024 : i32
      %mul3A_103 = arith.muli %scan3A_65, %mul3A_102 : i32
      %add3A_104 = arith.constant 96 : i32
      %add3A_105 = arith.addi %mul3A_103, %add3A_104 : i32
      %swap3A_106 = arith.index_cast %add3A_105 : i32 to index
      %swap3A_107 = tpu.vector_load %arg8[%swap3A_106] {strides = array<i32>} : memref<65536xf32, #tpu.memory_space<vmem>>, vector<16xf32>,
      tpu.vector_store %arg8[%swap3A_106], %broadcast_in_dim3A_3 {strides = array<i32>} : memref<65536xf32, #tpu.memory_space<vmem>>, vector<16xf32>,
      %mul3A_108 = arith.constant 1024 : i32
      %mul3A_109 = arith.muli %scan3A_65, %mul3A_108 : i32
      %add3A_110 = arith.constant 112 : i32
      %add3A_111 = arith.addi %mul3A_109, %add3A_110 : i32
      %swap3A_112 = arith.index_cast %add3A_111 : i32 to index
      %swap3A_113 = tpu.vector_load %arg8[%swap3A_112] {strides = array<i32>} : memref<65536xf32, #tpu.memory_space<vmem>>, vector<16xf32>,
      tpu.vector_store %arg8[%swap3A_112], %broadcast_in_dim3A_3 {strides = array<i32>} : memref<65536xf32, #tpu.memory_space<vmem>>, vector<16xf32>,
      %mul3A_114 = arith.constant 1024 : i32
      %mul3A_115 = arith.muli %scan3A_65, %mul3A_114 : i32
      %add3A_116 = arith.constant 128 : i32
      %add3A_117 = arith.addi %mul3A_115, %add3A_116 : i32
      %swap3A_118 = arith.index_cast %add3A_117 : i32 to index
      %swap3A_119 = tpu.vector_load %arg8[%swap3A_118] {strides = array<i32>} : memref<65536xf32, #tpu.memory_space<vmem>>, vector<16xf32>,
      tpu.vector_store %arg8[%swap3A_118], %broadcast_in_dim3A_3 {strides = array<i32>} : memref<65536xf32, #tpu.memory_space<vmem>>, vector<16xf32>,
      %mul3A_120 = arith.constant 1024 : i32
      %mul3A_121 = arith.muli %scan3A_65, %mul3A_120 : i32
      %add3A_122 = arith.constant 144 : i32
      %add3A_123 = arith.addi %mul3A_121, %add3A_122 : i32
      %swap3A_124 = arith.index_cast %add3A_123 : i32 to index
      %swap3A_125 = tpu.vector_load %arg8[%swap3A_124] {strides = array<i32>} : memref<65536xf32, #tpu.memory_space<vmem>>, vector<16xf32>,
      tpu.vector_store %arg8[%swap3A_124], %broadcast_in_dim3A_3 {strides = array<i32>} : memref<65536xf32, #tpu.memory_space<vmem>>, vector<16xf32>,
      %mul3A_126 = arith.constant 1024 : i32
      %mul3A_127 = arith.muli %scan3A_65, %mul3A_126 : i32
      %add3A_128 = arith.constant 160 : i32
      %add3A_129 = arith.addi %mul3A_127, %add3A_128 : i32
      %swap3A_130 = arith.index_cast %add3A_129 : i32 to index
      %swap3A_131 = tpu.vector_load %arg8[%swap3A_130] {strides = array<i32>} : memref<65536xf32, #tpu.memory_space<vmem>>, vector<16xf32>,
      tpu.vector_store %arg8[%swap3A_130], %broadcast_in_dim3A_3 {strides = array<i32>} : memref<65536xf32, #tpu.memory_space<vmem>>, vector<16xf32>,
      %mul3A_132 = arith.constant 1024 : i32
      %mul3A_133 = arith.muli %scan3A_65, %mul3A_132 : i32
      %add3A_134 = arith.constant 176 : i32
      %add3A_135 = arith.addi %mul3A_133, %add3A_134 : i32
      %swap3A_136 = arith.index_cast %add3A_135 : i32 to index
      %swap3A_137 = tpu.vector_load %arg8[%swap3A_136] {strides = array<i32>} : memref<65536xf32, #tpu.memory_space<vmem>>, vector<16xf32>,
      tpu.vector_store %arg8[%swap3A_136], %broadcast_in_dim3A_3 {strides = array<i32>} : memref<65536xf32, #tpu.memory_space<vmem>>, vector<16xf32>,
      %mul3A_138 = arith.constant 1024 : i32
      %mul3A_139 = arith.muli %scan3A_65, %mul3A_138 : i32
      %add3A_140 = arith.constant 192 : i32
      %add3A_141 = arith.addi %mul3A_139, %add3A_140 : i32
      %swap3A_142 = arith.index_cast %add3A_141 : i32 to index
      %swap3A_143 = tpu.vector_load %arg8[%swap3A_142] {strides = array<i32>} : memref<65536xf32, #tpu.memory_space<vmem>>, vector<16xf32>,
      tpu.vector_store %arg8[%swap3A_142], %broadcast_in_dim3A_3 {strides = array<i32>} : memref<65536xf32, #tpu.memory_space<vmem>>, vector<16xf32>,
      %mul3A_144 = arith.constant 1024 : i32
      %mul3A_145 = arith.muli %scan3A_65, %mul3A_144 : i32
      %add3A_146 = arith.constant 208 : i32
      %add3A_147 = arith.addi %mul3A_145, %add3A_146 : i32
      %swap3A_148 = arith.index_cast %add3A_147 : i32 to index
      %swap3A_149 = tpu.vector_load %arg8[%swap3A_148] {strides = array<i32>} : memref<65536xf32, #tpu.memory_space<vmem>>, vector<16xf32>,
      tpu.vector_store %arg8[%swap3A_148], %broadcast_in_dim3A_3 {strides = array<i32>} : memref<65536xf32, #tpu.memory_space<vmem>>, vector<16xf32>,
      %mul3A_150 = arith.constant 1024 : i32
      %mul3A_151 = arith.muli %scan3A_65, %mul3A_150 : i32
      %add3A_152 = arith.constant 224 : i32
      %add3A_153 = arith.addi %mul3A_151, %add3A_152 : i32
      %swap3A_154 = arith.index_cast %add3A_153 : i32 to index
      %swap3A_155 = tpu.vector_load %arg8[%swap3A_154] {strides = array<i32>} : memref<65536xf32, #tpu.memory_space<vmem>>, vector<16xf32>,
      tpu.vector_store %arg8[%swap3A_154], %broadcast_in_dim3A_3 {strides = array<i32>} : memref<65536xf32, #tpu.memory_space<vmem>>, vector<16xf32>,
      %mul3A_156 = arith.constant 1024 : i32
      %mul3A_157 = arith.muli %scan3A_65, %mul3A_156 : i32
      %add3A_158 = arith.constant 240 : i32
      %add3A_159 = arith.addi %mul3A_157, %add3A_158 : i32
      %swap3A_160 = arith.index_cast %add3A_159 : i32 to index
      %swap3A_161 = tpu.vector_load %arg8[%swap3A_160] {strides = array<i32>} : memref<65536xf32, #tpu.memory_space<vmem>>, vector<16xf32>,
      tpu.vector_store %arg8[%swap3A_160], %broadcast_in_dim3A_3 {strides = array<i32>} : memref<65536xf32, #tpu.memory_space<vmem>>, vector<16xf32>,
      %mul3A_162 = arith.constant 1024 : i32
      %mul3A_163 = arith.muli %scan3A_65, %mul3A_162 : i32
      %add3A_164 = arith.constant 256 : i32
      %add3A_165 = arith.addi %mul3A_163, %add3A_164 : i32
      %swap3A_166 = arith.index_cast %add3A_165 : i32 to index
      %swap3A_167 = tpu.vector_load %arg8[%swap3A_166] {strides = array<i32>} : memref<65536xf32, #tpu.memory_space<vmem>>, vector<16xf32>,
      tpu.vector_store %arg8[%swap3A_166], %broadcast_in_dim3A_3 {strides = array<i32>} : memref<65536xf32, #tpu.memory_space<vmem>>, vector<16xf32>,
      %mul3A_168 = arith.constant 1024 : i32
      %mul3A_169 = arith.muli %scan3A_65, %mul3A_168 : i32
      %add3A_170 = arith.constant 272 : i32
      %add3A_171 = arith.addi %mul3A_169, %add3A_170 : i32
      %swap3A_172 = arith.index_cast %add3A_171 : i32 to index
      %swap3A_173 = tpu.vector_load %arg8[%swap3A_172] {strides = array<i32>} : memref<65536xf32, #tpu.memory_space<vmem>>, vector<16xf32>,
      tpu.vector_store %arg8[%swap3A_172], %broadcast_in_dim3A_3 {strides = array<i32>} : memref<65536xf32, #tpu.memory_space<vmem>>, vector<16xf32>,
      %mul3A_174 = arith.constant 1024 : i32
      %mul3A_175 = arith.muli %scan3A_65, %mul3A_174 : i32
      %add3A_176 = arith.constant 288 : i32
      %add3A_177 = arith.addi %mul3A_175, %add3A_176 : i32
      %swap3A_178 = arith.index_cast %add3A_177 : i32 to index
      %swap3A_179 = tpu.vector_load %arg8[%swap3A_178] {strides = array<i32>} : memref<65536xf32, #tpu.memory_space<vmem>>, vector<16xf32>,
      tpu.vector_store %arg8[%swap3A_178], %broadcast_in_dim3A_3 {strides = array<i32>} : memref<65536xf32, #tpu.memory_space<vmem>>, vector<16xf32>,
      %mul3A_180 = arith.constant 1024 : i32
      %mul3A_181 = arith.muli %scan3A_65, %mul3A_180 : i32
      %add3A_182 = arith.constant 304 : i32
      %add3A_183 = arith.addi %mul3A_181, %add3A_182 : i32
      %swap3A_184 = arith.index_cast %add3A_183 : i32 to index
      %swap3A_185 = tpu.vector_load %arg8[%swap3A_184] {strides = array<i32>} : memref<65536xf32, #tpu.memory_space<vmem>>, vector<16xf32>,
      tpu.vector_store %arg8[%swap3A_184], %broadcast_in_dim3A_3 {strides = array<i32>} : memref<65536xf32, #tpu.memory_space<vmem>>, vector<16xf32>,
      %mul3A_186 = arith.constant 1024 : i32
      %mul3A_187 = arith.muli %scan3A_65, %mul3A_186 : i32
      %add3A_188 = arith.constant 320 : i32
      %add3A_189 = arith.addi %mul3A_187, %add3A_188 : i32
      %swap3A_190 = arith.index_cast %add3A_189 : i32 to index
      %swap3A_191 = tpu.vector_load %arg8[%swap3A_190] {strides = array<i32>} : memref<65536xf32, #tpu.memory_space<vmem>>, vector<16xf32>,
      tpu.vector_store %arg8[%swap3A_190], %broadcast_in_dim3A_3 {strides = array<i32>} : memref<65536xf32, #tpu.memory_space<vmem>>, vector<16xf32>,
      %mul3A_192 = arith.constant 1024 : i32
      %mul3A_193 = arith.muli %scan3A_65, %mul3A_192 : i32
      %add3A_194 = arith.constant 336 : i32
      %add3A_195 = arith.addi %mul3A_193, %add3A_194 : i32
      %swap3A_196 = arith.index_cast %add3A_195 : i32 to index
      %swap3A_197 = tpu.vector_load %arg8[%swap3A_196] {strides = array<i32>} : memref<65536xf32, #tpu.memory_space<vmem>>, vector<16xf32>,
      tpu.vector_store %arg8[%swap3A_196], %broadcast_in_dim3A_3 {strides = array<i32>} : memref<65536xf32, #tpu.memory_space<vmem>>, vector<16xf32>,
      %mul3A_198 = arith.constant 1024 : i32
      %mul3A_199 = arith.muli %scan3A_65, %mul3A_198 : i32
      %add3A_200 = arith.constant 352 : i32
      %add3A_201 = arith.addi %mul3A_199, %add3A_200 : i32
      %swap3A_202 = arith.index_cast %add3A_201 : i32 to index
      %swap3A_203 = tpu.vector_load %arg8[%swap3A_202] {strides = array<i32>} : memref<65536xf32, #tpu.memory_space<vmem>>, vector<16xf32>,
      tpu.vector_store %arg8[%swap3A_202], %broadcast_in_dim3A_3 {strides = array<i32>} : memref<65536xf32, #tpu.memory_space<vmem>>, vector<16xf32>,
      %mul3A_204 = arith.constant 1024 : i32
      %mul3A_205 = arith.muli %scan3A_65, %mul3A_204 : i32
      %add3A_206 = arith.constant 368 : i32
      %add3A_207 = arith.addi %mul3A_205, %add3A_206 : i32
      %swap3A_208 = arith.index_cast %add3A_207 : i32 to index
      %swap3A_209 = tpu.vector_load %arg8[%swap3A_208] {strides = array<i32>} : memref<65536xf32, #tpu.memory_space<vmem>>, vector<16xf32>,
      tpu.vector_store %arg8[%swap3A_208], %broadcast_in_dim3A_3 {strides = array<i32>} : memref<65536xf32, #tpu.memory_space<vmem>>, vector<16xf32>,
      %mul3A_210 = arith.constant 1024 : i32
      %mul3A_211 = arith.muli %scan3A_65, %mul3A_210 : i32
      %add3A_212 = arith.constant 384 : i32
      %add3A_213 = arith.addi %mul3A_211, %add3A_212 : i32
      %swap3A_214 = arith.index_cast %add3A_213 : i32 to index
      %swap3A_215 = tpu.vector_load %arg8[%swap3A_214] {strides = array<i32>} : memref<65536xf32, #tpu.memory_space<vmem>>, vector<16xf32>,
      tpu.vector_store %arg8[%swap3A_214], %broadcast_in_dim3A_3 {strides = array<i32>} : memref<65536xf32, #tpu.memory_space<vmem>>, vector<16xf32>,
      %mul3A_216 = arith.constant 1024 : i32
      %mul3A_217 = arith.muli %scan3A_65, %mul3A_216 : i32
      %add3A_218 = arith.constant 400 : i32
      %add3A_219 = arith.addi %mul3A_217, %add3A_218 : i32
      %swap3A_220 = arith.index_cast %add3A_219 : i32 to index
      %swap3A_221 = tpu.vector_load %arg8[%swap3A_220] {strides = array<i32>} : memref<65536xf32, #tpu.memory_space<vmem>>, vector<16xf32>,
      tpu.vector_store %arg8[%swap3A_220], %broadcast_in_dim3A_3 {strides = array<i32>} : memref<65536xf32, #tpu.memory_space<vmem>>, vector<16xf32>,
      %mul3A_222 = arith.constant 1024 : i32
      %mul3A_223 = arith.muli %scan3A_65, %mul3A_222 : i32
      %add3A_224 = arith.constant 416 : i32
      %add3A_225 = arith.addi %mul3A_223, %add3A_224 : i32
      %swap3A_226 = arith.index_cast %add3A_225 : i32 to index
      %swap3A_227 = tpu.vector_load %arg8[%swap3A_226] {strides = array<i32>} : memref<65536xf32, #tpu.memory_space<vmem>>, vector<16xf32>,
      tpu.vector_store %arg8[%swap3A_226], %broadcast_in_dim3A_3 {strides = array<i32>} : memref<65536xf32, #tpu.memory_space<vmem>>, vector<16xf32>,
      %mul3A_228 = arith.constant 1024 : i32
      %mul3A_229 = arith.muli %scan3A_65, %mul3A_228 : i32
      %add3A_230 = arith.constant 432 : i32
      %add3A_231 = arith.addi %mul3A_229, %add3A_230 : i32
      %swap3A_232 = arith.index_cast %add3A_231 : i32 to index
      %swap3A_233 = tpu.vector_load %arg8[%swap3A_232] {strides = array<i32>} : memref<65536xf32, #tpu.memory_space<vmem>>, vector<16xf32>,
      tpu.vector_store %arg8[%swap3A_232], %broadcast_in_dim3A_3 {strides = array<i32>} : memref<65536xf32, #tpu.memory_space<vmem>>, vector<16xf32>,
      %mul3A_234 = arith.constant 1024 : i32
      %mul3A_235 = arith.muli %scan3A_65, %mul3A_234 : i32
      %add3A_236 = arith.constant 448 : i32
      %add3A_237 = arith.addi %mul3A_235, %add3A_236 : i32
      %swap3A_238 = arith.index_cast %add3A_237 : i32 to index
      %swap3A_239 = tpu.vector_load %arg8[%swap3A_238] {strides = array<i32>} : memref<65536xf32, #tpu.memory_space<vmem>>, vector<16xf32>,
      tpu.vector_store %arg8[%swap3A_238], %broadcast_in_dim3A_3 {strides = array<i32>} : memref<65536xf32, #tpu.memory_space<vmem>>, vector<16xf32>,
      %mul3A_240 = arith.constant 1024 : i32
      %mul3A_241 = arith.muli %scan3A_65, %mul3A_240 : i32
      %add3A_242 = arith.constant 464 : i32
      %add3A_243 = arith.addi %mul3A_241, %add3A_242 : i32
      %swap3A_244 = arith.index_cast %add3A_243 : i32 to index
      %swap3A_245 = tpu.vector_load %arg8[%swap3A_244] {strides = array<i32>} : memref<65536xf32, #tpu.memory_space<vmem>>, vector<16xf32>,
      tpu.vector_store %arg8[%swap3A_244], %broadcast_in_dim3A_3 {strides = array<i32>} : memref<65536xf32, #tpu.memory_space<vmem>>, vector<16xf32>,
      %mul3A_246 = arith.constant 1024 : i32
      %mul3A_247 = arith.muli %scan3A_65, %mul3A_246 : i32
      %add3A_248 = arith.constant 480 : i32
      %add3A_249 = arith.addi %mul3A_247, %add3A_248 : i32
      %swap3A_250 = arith.index_cast %add3A_249 : i32 to index
      %swap3A_251 = tpu.vector_load %arg8[%swap3A_250] {strides = array<i32>} : memref<65536xf32, #tpu.memory_space<vmem>>, vector<16xf32>,
      tpu.vector_store %arg8[%swap3A_250], %broadcast_in_dim3A_3 {strides = array<i32>} : memref<65536xf32, #tpu.memory_space<vmem>>, vector<16xf32>,
      %mul3A_252 = arith.constant 1024 : i32
      %mul3A_253 = arith.muli %scan3A_65, %mul3A_252 : i32
      %add3A_254 = arith.constant 496 : i32
      %add3A_255 = arith.addi %mul3A_253, %add3A_254 : i32
      %swap3A_256 = arith.index_cast %add3A_255 : i32 to index
      %swap3A_257 = tpu.vector_load %arg8[%swap3A_256] {strides = array<i32>} : memref<65536xf32, #tpu.memory_space<vmem>>, vector<16xf32>,
      tpu.vector_store %arg8[%swap3A_256], %broadcast_in_dim3A_3 {strides = array<i32>} : memref<65536xf32, #tpu.memory_space<vmem>>, vector<16xf32>,
      %mul3A_258 = arith.constant 1024 : i32
      %mul3A_259 = arith.muli %scan3A_65, %mul3A_258 : i32
      %add3A_260 = arith.constant 512 : i32
      %add3A_261 = arith.addi %mul3A_259, %add3A_260 : i32
      %swap3A_262 = arith.index_cast %add3A_261 : i32 to index
      %swap3A_263 = tpu.vector_load %arg8[%swap3A_262] {strides = array<i32>} : memref<65536xf32, #tpu.memory_space<vmem>>, vector<16xf32>,
      tpu.vector_store %arg8[%swap3A_262], %broadcast_in_dim3A_3 {strides = array<i32>} : memref<65536xf32, #tpu.memory_space<vmem>>, vector<16xf32>,
      %mul3A_264 = arith.constant 1024 : i32
      %mul3A_265 = arith.muli %scan3A_65, %mul3A_264 : i32
      %add3A_266 = arith.constant 528 : i32
      %add3A_267 = arith.addi %mul3A_265, %add3A_266 : i32
      %swap3A_268 = arith.index_cast %add3A_267 : i32 to index
      %swap3A_269 = tpu.vector_load %arg8[%swap3A_268] {strides = array<i32>} : memref<65536xf32, #tpu.memory_space<vmem>>, vector<16xf32>,
      tpu.vector_store %arg8[%swap3A_268], %broadcast_in_dim3A_3 {strides = array<i32>} : memref<65536xf32, #tpu.memory_space<vmem>>, vector<16xf32>,
      %mul3A_270 = arith.constant 1024 : i32
      %mul3A_271 = arith.muli %scan3A_65, %mul3A_270 : i32
      %add3A_272 = arith.constant 544 : i32
      %add3A_273 = arith.addi %mul3A_271, %add3A_272 : i32
      %swap3A_274 = arith.index_cast %add3A_273 : i32 to index
      %swap3A_275 = tpu.vector_load %arg8[%swap3A_274] {strides = array<i32>} : memref<65536xf32, #tpu.memory_space<vmem>>, vector<16xf32>,
      tpu.vector_store %arg8[%swap3A_274], %broadcast_in_dim3A_3 {strides = array<i32>} : memref<65536xf32, #tpu.memory_space<vmem>>, vector<16xf32>,
      %mul3A_276 = arith.constant 1024 : i32
      %mul3A_277 = arith.muli %scan3A_65, %mul3A_276 : i32
      %add3A_278 = arith.constant 560 : i32
      %add3A_279 = arith.addi %mul3A_277, %add3A_278 : i32
      %swap3A_280 = arith.index_cast %add3A_279 : i32 to index
      %swap3A_281 = tpu.vector_load %arg8[%swap3A_280] {strides = array<i32>} : memref<65536xf32, #tpu.memory_space<vmem>>, vector<16xf32>,
      tpu.vector_store %arg8[%swap3A_280], %broadcast_in_dim3A_3 {strides = array<i32>} : memref<65536xf32, #tpu.memory_space<vmem>>, vector<16xf32>,
      %mul3A_282 = arith.constant 1024 : i32
      %mul3A_283 = arith.muli %scan3A_65, %mul3A_282 : i32
      %add3A_284 = arith.constant 576 : i32
      %add3A_285 = arith.addi %mul3A_283, %add3A_284 : i32
      %swap3A_286 = arith.index_cast %add3A_285 : i32 to index
      %swap3A_287 = tpu.vector_load %arg8[%swap3A_286] {strides = array<i32>} : memref<65536xf32, #tpu.memory_space<vmem>>, vector<16xf32>,
      tpu.vector_store %arg8[%swap3A_286], %broadcast_in_dim3A_3 {strides = array<i32>} : memref<65536xf32, #tpu.memory_space<vmem>>, vector<16xf32>,
      %mul3A_288 = arith.constant 1024 : i32
      %mul3A_289 = arith.muli %scan3A_65, %mul3A_288 : i32
      %add3A_290 = arith.constant 592 : i32
      %add3A_291 = arith.addi %mul3A_289, %add3A_290 : i32
      %swap3A_292 = arith.index_cast %add3A_291 : i32 to index
      %swap3A_293 = tpu.vector_load %arg8[%swap3A_292] {strides = array<i32>} : memref<65536xf32, #tpu.memory_space<vmem>>, vector<16xf32>,
      tpu.vector_store %arg8[%swap3A_292], %broadcast_in_dim3A_3 {strides = array<i32>} : memref<65536xf32, #tpu.memory_space<vmem>>, vector<16xf32>,
      %mul3A_294 = arith.constant 1024 : i32
      %mul3A_295 = arith.muli %scan3A_65, %mul3A_294 : i32
      %add3A_296 = arith.constant 608 : i32
      %add3A_297 = arith.addi %mul3A_295, %add3A_296 : i32
      %swap3A_298 = arith.index_cast %add3A_297 : i32 to index
      %swap3A_299 = tpu.vector_load %arg8[%swap3A_298] {strides = array<i32>} : memref<65536xf32, #tpu.memory_space<vmem>>, vector<16xf32>,
      tpu.vector_store %arg8[%swap3A_298], %broadcast_in_dim3A_3 {strides = array<i32>} : memref<65536xf32, #tpu.memory_space<vmem>>, vector<16xf32>,
      %mul3A_300 = arith.constant 1024 : i32
      %mul3A_301 = arith.muli %scan3A_65, %mul3A_300 : i32
      %add3A_302 = arith.constant 624 : i32
      %add3A_303 = arith.addi %mul3A_301, %add3A_302 : i32
      %swap3A_304 = arith.index_cast %add3A_303 : i32 to index
      %swap3A_305 = tpu.vector_load %arg8[%swap3A_304] {strides = array<i32>} : memref<65536xf32, #tpu.memory_space<vmem>>, vector<16xf32>,
      tpu.vector_store %arg8[%swap3A_304], %broadcast_in_dim3A_3 {strides = array<i32>} : memref<65536xf32, #tpu.memory_space<vmem>>, vector<16xf32>,
      %mul3A_306 = arith.constant 1024 : i32
      %mul3A_307 = arith.muli %scan3A_65, %mul3A_306 : i32
      %add3A_308 = arith.constant 640 : i32
      %add3A_309 = arith.addi %mul3A_307, %add3A_308 : i32
      %swap3A_310 = arith.index_cast %add3A_309 : i32 to index
      %swap3A_311 = tpu.vector_load %arg8[%swap3A_310] {strides = array<i32>} : memref<65536xf32, #tpu.memory_space<vmem>>, vector<16xf32>,
      tpu.vector_store %arg8[%swap3A_310], %broadcast_in_dim3A_3 {strides = array<i32>} : memref<65536xf32, #tpu.memory_space<vmem>>, vector<16xf32>,
      %mul3A_312 = arith.constant 1024 : i32
      %mul3A_313 = arith.muli %scan3A_65, %mul3A_312 : i32
      %add3A_314 = arith.constant 656 : i32
      %add3A_315 = arith.addi %mul3A_313, %add3A_314 : i32
      %swap3A_316 = arith.index_cast %add3A_315 : i32 to index
      %swap3A_317 = tpu.vector_load %arg8[%swap3A_316] {strides = array<i32>} : memref<65536xf32, #tpu.memory_space<vmem>>, vector<16xf32>,
      tpu.vector_store %arg8[%swap3A_316], %broadcast_in_dim3A_3 {strides = array<i32>} : memref<65536xf32, #tpu.memory_space<vmem>>, vector<16xf32>,
      %mul3A_318 = arith.constant 1024 : i32
      %mul3A_319 = arith.muli %scan3A_65, %mul3A_318 : i32
      %add3A_320 = arith.constant 672 : i32
      %add3A_321 = arith.addi %mul3A_319, %add3A_320 : i32
      %swap3A_322 = arith.index_cast %add3A_321 : i32 to index
      %swap3A_323 = tpu.vector_load %arg8[%swap3A_322] {strides = array<i32>} : memref<65536xf32, #tpu.memory_space<vmem>>, vector<16xf32>,
      tpu.vector_store %arg8[%swap3A_322], %broadcast_in_dim3A_3 {strides = array<i32>} : memref<65536xf32, #tpu.memory_space<vmem>>, vector<16xf32>,
      %mul3A_324 = arith.constant 1024 : i32
      %mul3A_325 = arith.muli %scan3A_65, %mul3A_324 : i32
      %add3A_326 = arith.constant 688 : i32
      %add3A_327 = arith.addi %mul3A_325, %add3A_326 : i32
      %swap3A_328 = arith.index_cast %add3A_327 : i32 to index
      %swap3A_329 = tpu.vector_load %arg8[%swap3A_328] {strides = array<i32>} : memref<65536xf32, #tpu.memory_space<vmem>>, vector<16xf32>,
      tpu.vector_store %arg8[%swap3A_328], %broadcast_in_dim3A_3 {strides = array<i32>} : memref<65536xf32, #tpu.memory_space<vmem>>, vector<16xf32>,
      %mul3A_330 = arith.constant 1024 : i32
      %mul3A_331 = arith.muli %scan3A_65, %mul3A_330 : i32
      %add3A_332 = arith.constant 704 : i32
      %add3A_333 = arith.addi %mul3A_331, %add3A_332 : i32
      %swap3A_334 = arith.index_cast %add3A_333 : i32 to index
      %swap3A_335 = tpu.vector_load %arg8[%swap3A_334] {strides = array<i32>} : memref<65536xf32, #tpu.memory_space<vmem>>, vector<16xf32>,
      tpu.vector_store %arg8[%swap3A_334], %broadcast_in_dim3A_3 {strides = array<i32>} : memref<65536xf32, #tpu.memory_space<vmem>>, vector<16xf32>,
      %mul3A_336 = arith.constant 1024 : i32
      %mul3A_337 = arith.muli %scan3A_65, %mul3A_336 : i32
      %add3A_338 = arith.constant 720 : i32
      %add3A_339 = arith.addi %mul3A_337, %add3A_338 : i32
      %swap3A_340 = arith.index_cast %add3A_339 : i32 to index
      %swap3A_341 = tpu.vector_load %arg8[%swap3A_340] {strides = array<i32>} : memref<65536xf32, #tpu.memory_space<vmem>>, vector<16xf32>,
      tpu.vector_store %arg8[%swap3A_340], %broadcast_in_dim3A_3 {strides = array<i32>} : memref<65536xf32, #tpu.memory_space<vmem>>, vector<16xf32>,
      %mul3A_342 = arith.constant 1024 : i32
      %mul3A_343 = arith.muli %scan3A_65, %mul3A_342 : i32
      %add3A_344 = arith.constant 736 : i32
      %add3A_345 = arith.addi %mul3A_343, %add3A_344 : i32
      %swap3A_346 = arith.index_cast %add3A_345 : i32 to index
      %swap3A_347 = tpu.vector_load %arg8[%swap3A_346] {strides = array<i32>} : memref<65536xf32, #tpu.memory_space<vmem>>, vector<16xf32>,
      tpu.vector_store %arg8[%swap3A_346], %broadcast_in_dim3A_3 {strides = array<i32>} : memref<65536xf32, #tpu.memory_space<vmem>>, vector<16xf32>,
      %mul3A_348 = arith.constant 1024 : i32
      %mul3A_349 = arith.muli %scan3A_65, %mul3A_348 : i32
      %add3A_350 = arith.constant 752 : i32
      %add3A_351 = arith.addi %mul3A_349, %add3A_350 : i32
      %swap3A_352 = arith.index_cast %add3A_351 : i32 to index
      %swap3A_353 = tpu.vector_load %arg8[%swap3A_352] {strides = array<i32>} : memref<65536xf32, #tpu.memory_space<vmem>>, vector<16xf32>,
      tpu.vector_store %arg8[%swap3A_352], %broadcast_in_dim3A_3 {strides = array<i32>} : memref<65536xf32, #tpu.memory_space<vmem>>, vector<16xf32>,
      %mul3A_354 = arith.constant 1024 : i32
      %mul3A_355 = arith.muli %scan3A_65, %mul3A_354 : i32
      %add3A_356 = arith.constant 768 : i32
      %add3A_357 = arith.addi %mul3A_355, %add3A_356 : i32
      %swap3A_358 = arith.index_cast %add3A_357 : i32 to index
      %swap3A_359 = tpu.vector_load %arg8[%swap3A_358] {strides = array<i32>} : memref<65536xf32, #tpu.memory_space<vmem>>, vector<16xf32>,
      tpu.vector_store %arg8[%swap3A_358], %broadcast_in_dim3A_3 {strides = array<i32>} : memref<65536xf32, #tpu.memory_space<vmem>>, vector<16xf32>,
      %mul3A_360 = arith.constant 1024 : i32
      %mul3A_361 = arith.muli %scan3A_65, %mul3A_360 : i32
      %add3A_362 = arith.constant 784 : i32
      %add3A_363 = arith.addi %mul3A_361, %add3A_362 : i32
      %swap3A_364 = arith.index_cast %add3A_363 : i32 to index
      %swap3A_365 = tpu.vector_load %arg8[%swap3A_364] {strides = array<i32>} : memref<65536xf32, #tpu.memory_space<vmem>>, vector<16xf32>,
      tpu.vector_store %arg8[%swap3A_364], %broadcast_in_dim3A_3 {strides = array<i32>} : memref<65536xf32, #tpu.memory_space<vmem>>, vector<16xf32>,
      %mul3A_366 = arith.constant 1024 : i32
      %mul3A_367 = arith.muli %scan3A_65, %mul3A_366 : i32
      %add3A_368 = arith.constant 800 : i32
      %add3A_369 = arith.addi %mul3A_367, %add3A_368 : i32
      %swap3A_370 = arith.index_cast %add3A_369 : i32 to index
      %swap3A_371 = tpu.vector_load %arg8[%swap3A_370] {strides = array<i32>} : memref<65536xf32, #tpu.memory_space<vmem>>, vector<16xf32>,
      tpu.vector_store %arg8[%swap3A_370], %broadcast_in_dim3A_3 {strides = array<i32>} : memref<65536xf32, #tpu.memory_space<vmem>>, vector<16xf32>,
      %mul3A_372 = arith.constant 1024 : i32
      %mul3A_373 = arith.muli %scan3A_65, %mul3A_372 : i32
      %add3A_374 = arith.constant 816 : i32
      %add3A_375 = arith.addi %mul3A_373, %add3A_374 : i32
      %swap3A_376 = arith.index_cast %add3A_375 : i32 to index
      %swap3A_377 = tpu.vector_load %arg8[%swap3A_376] {strides = array<i32>} : memref<65536xf32, #tpu.memory_space<vmem>>, vector<16xf32>,
      tpu.vector_store %arg8[%swap3A_376], %broadcast_in_dim3A_3 {strides = array<i32>} : memref<65536xf32, #tpu.memory_space<vmem>>, vector<16xf32>,
      %mul3A_378 = arith.constant 1024 : i32
      %mul3A_379 = arith.muli %scan3A_65, %mul3A_378 : i32
      %add3A_380 = arith.constant 832 : i32
      %add3A_381 = arith.addi %mul3A_379, %add3A_380 : i32
      %swap3A_382 = arith.index_cast %add3A_381 : i32 to index
      %swap3A_383 = tpu.vector_load %arg8[%swap3A_382] {strides = array<i32>} : memref<65536xf32, #tpu.memory_space<vmem>>, vector<16xf32>,
      tpu.vector_store %arg8[%swap3A_382], %broadcast_in_dim3A_3 {strides = array<i32>} : memref<65536xf32, #tpu.memory_space<vmem>>, vector<16xf32>,
      %mul3A_384 = arith.constant 1024 : i32
      %mul3A_385 = arith.muli %scan3A_65, %mul3A_384 : i32
      %add3A_386 = arith.constant 848 : i32
      %add3A_387 = arith.addi %mul3A_385, %add3A_386 : i32
      %swap3A_388 = arith.index_cast %add3A_387 : i32 to index
      %swap3A_389 = tpu.vector_load %arg8[%swap3A_388] {strides = array<i32>} : memref<65536xf32, #tpu.memory_space<vmem>>, vector<16xf32>,
      tpu.vector_store %arg8[%swap3A_388], %broadcast_in_dim3A_3 {strides = array<i32>} : memref<65536xf32, #tpu.memory_space<vmem>>, vector<16xf32>,
      %mul3A_390 = arith.constant 1024 : i32
      %mul3A_391 = arith.muli %scan3A_65, %mul3A_390 : i32
      %add3A_392 = arith.constant 864 : i32
      %add3A_393 = arith.addi %mul3A_391, %add3A_392 : i32
      %swap3A_394 = arith.index_cast %add3A_393 : i32 to index
      %swap3A_395 = tpu.vector_load %arg8[%swap3A_394] {strides = array<i32>} : memref<65536xf32, #tpu.memory_space<vmem>>, vector<16xf32>,
      tpu.vector_store %arg8[%swap3A_394], %broadcast_in_dim3A_3 {strides = array<i32>} : memref<65536xf32, #tpu.memory_space<vmem>>, vector<16xf32>,
      %mul3A_396 = arith.constant 1024 : i32
      %mul3A_397 = arith.muli %scan3A_65, %mul3A_396 : i32
      %add3A_398 = arith.constant 880 : i32
      %add3A_399 = arith.addi %mul3A_397, %add3A_398 : i32
      %swap3A_400 = arith.index_cast %add3A_399 : i32 to index
      %swap3A_401 = tpu.vector_load %arg8[%swap3A_400] {strides = array<i32>} : memref<65536xf32, #tpu.memory_space<vmem>>, vector<16xf32>,
      tpu.vector_store %arg8[%swap3A_400], %broadcast_in_dim3A_3 {strides = array<i32>} : memref<65536xf32, #tpu.memory_space<vmem>>, vector<16xf32>,
      %mul3A_402 = arith.constant 1024 : i32
      %mul3A_403 = arith.muli %scan3A_65, %mul3A_402 : i32
      %add3A_404 = arith.constant 896 : i32
      %add3A_405 = arith.addi %mul3A_403, %add3A_404 : i32
      %swap3A_406 = arith.index_cast %add3A_405 : i32 to index
      %swap3A_407 = tpu.vector_load %arg8[%swap3A_406] {strides = array<i32>} : memref<65536xf32, #tpu.memory_space<vmem>>, vector<16xf32>,
      tpu.vector_store %arg8[%swap3A_406], %broadcast_in_dim3A_3 {strides = array<i32>} : memref<65536xf32, #tpu.memory_space<vmem>>, vector<16xf32>,
      %mul3A_408 = arith.constant 1024 : i32
      %mul3A_409 = arith.muli %scan3A_65, %mul3A_408 : i32
      %add3A_410 = arith.constant 912 : i32
      %add3A_411 = arith.addi %mul3A_409, %add3A_410 : i32
      %swap3A_412 = arith.index_cast %add3A_411 : i32 to index
      %swap3A_413 = tpu.vector_load %arg8[%swap3A_412] {strides = array<i32>} : memref<65536xf32, #tpu.memory_space<vmem>>, vector<16xf32>,
      tpu.vector_store %arg8[%swap3A_412], %broadcast_in_dim3A_3 {strides = array<i32>} : memref<65536xf32, #tpu.memory_space<vmem>>, vector<16xf32>,
      %mul3A_414 = arith.constant 1024 : i32
      %mul3A_415 = arith.muli %scan3A_65, %mul3A_414 : i32
      %add3A_416 = arith.constant 928 : i32
      %add3A_417 = arith.addi %mul3A_415, %add3A_416 : i32
      %swap3A_418 = arith.index_cast %add3A_417 : i32 to index
      %swap3A_419 = tpu.vector_load %arg8[%swap3A_418] {strides = array<i32>} : memref<65536xf32, #tpu.memory_space<vmem>>, vector<16xf32>,
      tpu.vector_store %arg8[%swap3A_418], %broadcast_in_dim3A_3 {strides = array<i32>} : memref<65536xf32, #tpu.memory_space<vmem>>, vector<16xf32>,
      %mul3A_420 = arith.constant 1024 : i32
      %mul3A_421 = arith.muli %scan3A_65, %mul3A_420 : i32
      %add3A_422 = arith.constant 944 : i32
      %add3A_423 = arith.addi %mul3A_421, %add3A_422 : i32
      %swap3A_424 = arith.index_cast %add3A_423 : i32 to index
      %swap3A_425 = tpu.vector_load %arg8[%swap3A_424] {strides = array<i32>} : memref<65536xf32, #tpu.memory_space<vmem>>, vector<16xf32>,
      tpu.vector_store %arg8[%swap3A_424], %broadcast_in_dim3A_3 {strides = array<i32>} : memref<65536xf32, #tpu.memory_space<vmem>>, vector<16xf32>,
      %mul3A_426 = arith.constant 1024 : i32
      %mul3A_427 = arith.muli %scan3A_65, %mul3A_426 : i32
      %add3A_428 = arith.constant 960 : i32
      %add3A_429 = arith.addi %mul3A_427, %add3A_428 : i32
      %swap3A_430 = arith.index_cast %add3A_429 : i32 to index
      %swap3A_431 = tpu.vector_load %arg8[%swap3A_430] {strides = array<i32>} : memref<65536xf32, #tpu.memory_space<vmem>>, vector<16xf32>,
      tpu.vector_store %arg8[%swap3A_430], %broadcast_in_dim3A_3 {strides = array<i32>} : memref<65536xf32, #tpu.memory_space<vmem>>, vector<16xf32>,
      %mul3A_432 = arith.constant 1024 : i32
      %mul3A_433 = arith.muli %scan3A_65, %mul3A_432 : i32
      %add3A_434 = arith.constant 976 : i32
      %add3A_435 = arith.addi %mul3A_433, %add3A_434 : i32
      %swap3A_436 = arith.index_cast %add3A_435 : i32 to index
      %swap3A_437 = tpu.vector_load %arg8[%swap3A_436] {strides = array<i32>} : memref<65536xf32, #tpu.memory_space<vmem>>, vector<16xf32>,
      tpu.vector_store %arg8[%swap3A_436], %broadcast_in_dim3A_3 {strides = array<i32>} : memref<65536xf32, #tpu.memory_space<vmem>>, vector<16xf32>,
      %mul3A_438 = arith.constant 1024 : i32
      %mul3A_439 = arith.muli %scan3A_65, %mul3A_438 : i32
      %add3A_440 = arith.constant 992 : i32
      %add3A_441 = arith.addi %mul3A_439, %add3A_440 : i32
      %swap3A_442 = arith.index_cast %add3A_441 : i32 to index
      %swap3A_443 = tpu.vector_load %arg8[%swap3A_442] {strides = array<i32>} : memref<65536xf32, #tpu.memory_space<vmem>>, vector<16xf32>,
      tpu.vector_store %arg8[%swap3A_442], %broadcast_in_dim3A_3 {strides = array<i32>} : memref<65536xf32, #tpu.memory_space<vmem>>, vector<16xf32>,
      %mul3A_444 = arith.constant 1024 : i32
      %mul3A_445 = arith.muli %scan3A_65, %mul3A_444 : i32
      %add3A_446 = arith.constant 1008 : i32
      %add3A_447 = arith.addi %mul3A_445, %add3A_446 : i32
      %swap3A_448 = arith.index_cast %add3A_447 : i32 to index
      %swap3A_449 = tpu.vector_load %arg8[%swap3A_448] {strides = array<i32>} : memref<65536xf32, #tpu.memory_space<vmem>>, vector<16xf32>,
      tpu.vector_store %arg8[%swap3A_448], %broadcast_in_dim3A_3 {strides = array<i32>} : memref<65536xf32, #tpu.memory_space<vmem>>, vector<16xf32>,
    }
    %scan3A_10 = arith.constant 64 : i32
    %swap3A = arith.constant 0 : index
    %swap3A_11 = tpu.vector_load %arg9[%swap3A] {strides = array<i32>} : memref<64xf32, #tpu.memory_space<vmem>>, vector<16xf32>,
    tpu.vector_store %arg9[%swap3A], %broadcast_in_dim3A_3 {strides = array<i32>} : memref<64xf32, #tpu.memory_space<vmem>>, vector<16xf32>,
    %swap3A_12 = arith.constant 16 : index
    %swap3A_13 = tpu.vector_load %arg9[%swap3A_12] {strides = array<i32>} : memref<64xf32, #tpu.memory_space<vmem>>, vector<16xf32>,
    tpu.vector_store %arg9[%swap3A_12], %broadcast_in_dim3A_3 {strides = array<i32>} : memref<64xf32, #tpu.memory_space<vmem>>, vector<16xf32>,
    %swap3A_14 = arith.constant 32 : index
    %swap3A_15 = tpu.vector_load %arg9[%swap3A_14] {strides = array<i32>} : memref<64xf32, #tpu.memory_space<vmem>>, vector<16xf32>,
    tpu.vector_store %arg9[%swap3A_14], %broadcast_in_dim3A_3 {strides = array<i32>} : memref<64xf32, #tpu.memory_space<vmem>>, vector<16xf32>,
    %swap3A_16 = arith.constant 48 : index
    %swap3A_17 = tpu.vector_load %arg9[%swap3A_16] {strides = array<i32>} : memref<64xf32, #tpu.memory_space<vmem>>, vector<16xf32>,
    tpu.vector_store %arg9[%swap3A_16], %broadcast_in_dim3A_3 {strides = array<i32>} : memref<64xf32, #tpu.memory_space<vmem>>, vector<16xf32>,
    %add3A = arith.constant 0 : i32
    %add3A_18 = arith.addi %mul3A_2, %add3A : i32
    "tpu.region"() ({
      %run_scoped3A = tpu.sem_alloc : memref<!tpu.dma_semaphore, #tpu.memory_space<semaphore_mem>>
      %dma_start3A = tpu.memref_slice %arg2[%add3A_18] : memref<65536xi32, #tpu.memory_space<hbm>> -> memref<8192xi32, #tpu.memory_space<hbm>>
      %dma_start3A_65 = tpu.memref_slice %arg2[%add3A_18] : memref<65536xi32, #tpu.memory_space<hbm>> -> memref<8192xi32, #tpu.memory_space<hbm>>
      tpu.enqueue_dma source(%dma_start3A_65 : memref<8192xi32, #tpu.memory_space<hbm>>) target(%arg6 : memref<8192xi32, #tpu.memory_space<vmem>>) target_semaphore(%run_scoped3A : memref<!tpu.dma_semaphore, #tpu.memory_space<semaphore_mem>>)
      %dma_wait3A = tpu.memref_slice %arg2[%add3A_18] : memref<65536xi32, #tpu.memory_space<hbm>> -> memref<8192xi32, #tpu.memory_space<hbm>>
      %dma_wait3A_66 = tpu.memref_slice %arg2[%add3A_18] : memref<65536xi32, #tpu.memory_space<hbm>> -> memref<8192xi32, #tpu.memory_space<hbm>>
      tpu.wait_dma2 semaphore(%run_scoped3A : memref<!tpu.dma_semaphore, #tpu.memory_space<semaphore_mem>>) src(%dma_wait3A_66 : memref<8192xi32, #tpu.memory_space<hbm>>) dst(%arg6 : memref<8192xi32, #tpu.memory_space<vmem>>)
      tpu.yield
    }) : () -> ()
    %add3A_19 = arith.constant 0 : i32
    %add3A_20 = arith.addi %mul3A_2, %add3A_19 : i32
    "tpu.region"() ({
      %run_scoped3A = tpu.sem_alloc : memref<!tpu.dma_semaphore, #tpu.memory_space<semaphore_mem>>
      %dma_start3A = tpu.memref_slice %arg3[%add3A_20] : memref<65536xi32, #tpu.memory_space<hbm>> -> memref<8192xi32, #tpu.memory_space<hbm>>
      %dma_start3A_65 = tpu.memref_slice %arg3[%add3A_20] : memref<65536xi32, #tpu.memory_space<hbm>> -> memref<8192xi32, #tpu.memory_space<hbm>>
      tpu.enqueue_dma source(%dma_start3A_65 : memref<8192xi32, #tpu.memory_space<hbm>>) target(%arg7 : memref<8192xi32, #tpu.memory_space<vmem>>) target_semaphore(%run_scoped3A : memref<!tpu.dma_semaphore, #tpu.memory_space<semaphore_mem>>)
      %dma_wait3A = tpu.memref_slice %arg3[%add3A_20] : memref<65536xi32, #tpu.memory_space<hbm>> -> memref<8192xi32, #tpu.memory_space<hbm>>
      %dma_wait3A_66 = tpu.memref_slice %arg3[%add3A_20] : memref<65536xi32, #tpu.memory_space<hbm>> -> memref<8192xi32, #tpu.memory_space<hbm>>
      tpu.wait_dma2 semaphore(%run_scoped3A : memref<!tpu.dma_semaphore, #tpu.memory_space<semaphore_mem>>) src(%dma_wait3A_66 : memref<8192xi32, #tpu.memory_space<hbm>>) dst(%arg7 : memref<8192xi32, #tpu.memory_space<vmem>>)
      tpu.yield
    }) : () -> ()
    %scan3A_21 = arith.constant 0 : i32
    %scan3A_22 = arith.constant 0 : i32
    %scan3A_23 = arith.constant 128 : i32
    %scan3A_24 = arith.addi %scan3A_22, %scan3A_23 : i32
    %scan3A_25 = arith.constant 1 : i32
    scf.for %scan3A_65 = %scan3A_22 to %scan3A_24 step %scan3A_25  : i32 {
      %mul3A_66 = arith.constant 64 : i32
      %mul3A_67 = arith.muli %scan3A_65, %mul3A_66 : i32
      %add3A_68 = arith.constant 0 : i32
      %add3A_69 = arith.addi %mul3A_67, %add3A_68 : i32
      %get3A = arith.index_cast %add3A_69 : i32 to index
      %get3A_70 = tpu.vector_load %arg6[%get3A] {strides = array<i32>} : memref<8192xi32, #tpu.memory_space<vmem>>, vector<16xi32>,
      %mul3A_71 = arith.constant 64 : i32
      %mul3A_72 = arith.muli %scan3A_65, %mul3A_71 : i32
      %add3A_73 = arith.constant 0 : i32
      %add3A_74 = arith.addi %mul3A_72, %add3A_73 : i32
      %get3A_75 = arith.index_cast %add3A_74 : i32 to index
      %get3A_76 = tpu.vector_load %arg7[%get3A_75] {strides = array<i32>} : memref<8192xi32, #tpu.memory_space<vmem>>, vector<16xi32>,
      %sub3A = vector.broadcast %mul3A_0 : i32 to vector<16xi32>
      %sub3A_77 = arith.subi %get3A_76, %sub3A : vector<16xi32>
      %ge3A = arith.constant 0 : i32
      %ge3A_78 = vector.broadcast %ge3A : i32 to vector<16xi32>
      %ge3A_79 = arith.cmpi sge, %sub3A_77, %ge3A_78 : vector<16xi32>
      %lt3A = arith.constant 64 : i32
      %lt3A_80 = vector.broadcast %lt3A : i32 to vector<16xi32>
      %lt3A_81 = arith.cmpi slt, %sub3A_77, %lt3A_80 : vector<16xi32>
      %and3A = arith.andi %ge3A_79, %lt3A_81 : vector<16xi1>
      %jit3A = arith.constant 0 : i32
      %broadcast_in_dim3A_82 = vector.broadcast %jit3A : i32 to vector<16xi32>
      %select_n3A = arith.select %and3A, %sub3A_77, %broadcast_in_dim3A_82 : vector<16xi1>, vector<16xi32>
      %mul3A_83 = arith.constant 1024 : i32
      %mul3A_84 = vector.broadcast %mul3A_83 : i32 to vector<16xi32>
      %mul3A_85 = arith.muli %select_n3A, %mul3A_84 : vector<16xi32>
      %jit3A_86 = arith.constant 0 : i32
      %broadcast_in_dim3A_87 = vector.broadcast %jit3A_86 : i32 to vector<16xi32>
      %select_n3A_88 = arith.select %and3A, %get3A_70, %broadcast_in_dim3A_87 : vector<16xi1>, vector<16xi32>
      %add3A_89 = arith.addi %mul3A_85, %select_n3A_88 : vector<16xi32>
      tpu.vector_store_idx %arg8[%add3A_89], %broadcast_in_dim3A_5 masked %and3A {add = true} : memref<65536xf32, #tpu.memory_space<vmem>>[vector<16xi32>], vector<16xf32>, vector<16xi1>
      tpu.vector_store_idx %arg9[%select_n3A], %broadcast_in_dim3A_5 masked %and3A {add = true} : memref<64xf32, #tpu.memory_space<vmem>>[vector<16xi32>], vector<16xf32>, vector<16xi1>
      %mul3A_90 = arith.constant 64 : i32
      %mul3A_91 = arith.muli %scan3A_65, %mul3A_90 : i32
      %add3A_92 = arith.constant 16 : i32
      %add3A_93 = arith.addi %mul3A_91, %add3A_92 : i32
      %get3A_94 = arith.index_cast %add3A_93 : i32 to index
      %get3A_95 = tpu.vector_load %arg6[%get3A_94] {strides = array<i32>} : memref<8192xi32, #tpu.memory_space<vmem>>, vector<16xi32>,
      %mul3A_96 = arith.constant 64 : i32
      %mul3A_97 = arith.muli %scan3A_65, %mul3A_96 : i32
      %add3A_98 = arith.constant 16 : i32
      %add3A_99 = arith.addi %mul3A_97, %add3A_98 : i32
      %get3A_100 = arith.index_cast %add3A_99 : i32 to index
      %get3A_101 = tpu.vector_load %arg7[%get3A_100] {strides = array<i32>} : memref<8192xi32, #tpu.memory_space<vmem>>, vector<16xi32>,
      %sub3A_102 = vector.broadcast %mul3A_0 : i32 to vector<16xi32>
      %sub3A_103 = arith.subi %get3A_101, %sub3A_102 : vector<16xi32>
      %ge3A_104 = arith.constant 0 : i32
      %ge3A_105 = vector.broadcast %ge3A_104 : i32 to vector<16xi32>
      %ge3A_106 = arith.cmpi sge, %sub3A_103, %ge3A_105 : vector<16xi32>
      %lt3A_107 = arith.constant 64 : i32
      %lt3A_108 = vector.broadcast %lt3A_107 : i32 to vector<16xi32>
      %lt3A_109 = arith.cmpi slt, %sub3A_103, %lt3A_108 : vector<16xi32>
      %and3A_110 = arith.andi %ge3A_106, %lt3A_109 : vector<16xi1>
      %jit3A_111 = arith.constant 0 : i32
      %broadcast_in_dim3A_112 = vector.broadcast %jit3A_111 : i32 to vector<16xi32>
      %select_n3A_113 = arith.select %and3A_110, %sub3A_103, %broadcast_in_dim3A_112 : vector<16xi1>, vector<16xi32>
      %mul3A_114 = arith.constant 1024 : i32
      %mul3A_115 = vector.broadcast %mul3A_114 : i32 to vector<16xi32>
      %mul3A_116 = arith.muli %select_n3A_113, %mul3A_115 : vector<16xi32>
      %jit3A_117 = arith.constant 0 : i32
      %broadcast_in_dim3A_118 = vector.broadcast %jit3A_117 : i32 to vector<16xi32>
      %select_n3A_119 = arith.select %and3A_110, %get3A_95, %broadcast_in_dim3A_118 : vector<16xi1>, vector<16xi32>
      %add3A_120 = arith.addi %mul3A_116, %select_n3A_119 : vector<16xi32>
      tpu.vector_store_idx %arg8[%add3A_120], %broadcast_in_dim3A_5 masked %and3A_110 {add = true} : memref<65536xf32, #tpu.memory_space<vmem>>[vector<16xi32>], vector<16xf32>, vector<16xi1>
      tpu.vector_store_idx %arg9[%select_n3A_113], %broadcast_in_dim3A_5 masked %and3A_110 {add = true} : memref<64xf32, #tpu.memory_space<vmem>>[vector<16xi32>], vector<16xf32>, vector<16xi1>
      %mul3A_121 = arith.constant 64 : i32
      %mul3A_122 = arith.muli %scan3A_65, %mul3A_121 : i32
      %add3A_123 = arith.constant 32 : i32
      %add3A_124 = arith.addi %mul3A_122, %add3A_123 : i32
      %get3A_125 = arith.index_cast %add3A_124 : i32 to index
      %get3A_126 = tpu.vector_load %arg6[%get3A_125] {strides = array<i32>} : memref<8192xi32, #tpu.memory_space<vmem>>, vector<16xi32>,
      %mul3A_127 = arith.constant 64 : i32
      %mul3A_128 = arith.muli %scan3A_65, %mul3A_127 : i32
      %add3A_129 = arith.constant 32 : i32
      %add3A_130 = arith.addi %mul3A_128, %add3A_129 : i32
      %get3A_131 = arith.index_cast %add3A_130 : i32 to index
      %get3A_132 = tpu.vector_load %arg7[%get3A_131] {strides = array<i32>} : memref<8192xi32, #tpu.memory_space<vmem>>, vector<16xi32>,
      %sub3A_133 = vector.broadcast %mul3A_0 : i32 to vector<16xi32>
      %sub3A_134 = arith.subi %get3A_132, %sub3A_133 : vector<16xi32>
      %ge3A_135 = arith.constant 0 : i32
      %ge3A_136 = vector.broadcast %ge3A_135 : i32 to vector<16xi32>
      %ge3A_137 = arith.cmpi sge, %sub3A_134, %ge3A_136 : vector<16xi32>
      %lt3A_138 = arith.constant 64 : i32
      %lt3A_139 = vector.broadcast %lt3A_138 : i32 to vector<16xi32>
      %lt3A_140 = arith.cmpi slt, %sub3A_134, %lt3A_139 : vector<16xi32>
      %and3A_141 = arith.andi %ge3A_137, %lt3A_140 : vector<16xi1>
      %jit3A_142 = arith.constant 0 : i32
      %broadcast_in_dim3A_143 = vector.broadcast %jit3A_142 : i32 to vector<16xi32>
      %select_n3A_144 = arith.select %and3A_141, %sub3A_134, %broadcast_in_dim3A_143 : vector<16xi1>, vector<16xi32>
      %mul3A_145 = arith.constant 1024 : i32
      %mul3A_146 = vector.broadcast %mul3A_145 : i32 to vector<16xi32>
      %mul3A_147 = arith.muli %select_n3A_144, %mul3A_146 : vector<16xi32>
      %jit3A_148 = arith.constant 0 : i32
      %broadcast_in_dim3A_149 = vector.broadcast %jit3A_148 : i32 to vector<16xi32>
      %select_n3A_150 = arith.select %and3A_141, %get3A_126, %broadcast_in_dim3A_149 : vector<16xi1>, vector<16xi32>
      %add3A_151 = arith.addi %mul3A_147, %select_n3A_150 : vector<16xi32>
      tpu.vector_store_idx %arg8[%add3A_151], %broadcast_in_dim3A_5 masked %and3A_141 {add = true} : memref<65536xf32, #tpu.memory_space<vmem>>[vector<16xi32>], vector<16xf32>, vector<16xi1>
      tpu.vector_store_idx %arg9[%select_n3A_144], %broadcast_in_dim3A_5 masked %and3A_141 {add = true} : memref<64xf32, #tpu.memory_space<vmem>>[vector<16xi32>], vector<16xf32>, vector<16xi1>
      %mul3A_152 = arith.constant 64 : i32
      %mul3A_153 = arith.muli %scan3A_65, %mul3A_152 : i32
      %add3A_154 = arith.constant 48 : i32
      %add3A_155 = arith.addi %mul3A_153, %add3A_154 : i32
      %get3A_156 = arith.index_cast %add3A_155 : i32 to index
      %get3A_157 = tpu.vector_load %arg6[%get3A_156] {strides = array<i32>} : memref<8192xi32, #tpu.memory_space<vmem>>, vector<16xi32>,
      %mul3A_158 = arith.constant 64 : i32
      %mul3A_159 = arith.muli %scan3A_65, %mul3A_158 : i32
      %add3A_160 = arith.constant 48 : i32
      %add3A_161 = arith.addi %mul3A_159, %add3A_160 : i32
      %get3A_162 = arith.index_cast %add3A_161 : i32 to index
      %get3A_163 = tpu.vector_load %arg7[%get3A_162] {strides = array<i32>} : memref<8192xi32, #tpu.memory_space<vmem>>, vector<16xi32>,
      %sub3A_164 = vector.broadcast %mul3A_0 : i32 to vector<16xi32>
      %sub3A_165 = arith.subi %get3A_163, %sub3A_164 : vector<16xi32>
      %ge3A_166 = arith.constant 0 : i32
      %ge3A_167 = vector.broadcast %ge3A_166 : i32 to vector<16xi32>
      %ge3A_168 = arith.cmpi sge, %sub3A_165, %ge3A_167 : vector<16xi32>
      %lt3A_169 = arith.constant 64 : i32
      %lt3A_170 = vector.broadcast %lt3A_169 : i32 to vector<16xi32>
      %lt3A_171 = arith.cmpi slt, %sub3A_165, %lt3A_170 : vector<16xi32>
      %and3A_172 = arith.andi %ge3A_168, %lt3A_171 : vector<16xi1>
      %jit3A_173 = arith.constant 0 : i32
      %broadcast_in_dim3A_174 = vector.broadcast %jit3A_173 : i32 to vector<16xi32>
      %select_n3A_175 = arith.select %and3A_172, %sub3A_165, %broadcast_in_dim3A_174 : vector<16xi1>, vector<16xi32>
      %mul3A_176 = arith.constant 1024 : i32
      %mul3A_177 = vector.broadcast %mul3A_176 : i32 to vector<16xi32>
      %mul3A_178 = arith.muli %select_n3A_175, %mul3A_177 : vector<16xi32>
      %jit3A_179 = arith.constant 0 : i32
      %broadcast_in_dim3A_180 = vector.broadcast %jit3A_179 : i32 to vector<16xi32>
      %select_n3A_181 = arith.select %and3A_172, %get3A_157, %broadcast_in_dim3A_180 : vector<16xi1>, vector<16xi32>
      %add3A_182 = arith.addi %mul3A_178, %select_n3A_181 : vector<16xi32>
      tpu.vector_store_idx %arg8[%add3A_182], %broadcast_in_dim3A_5 masked %and3A_172 {add = true} : memref<65536xf32, #tpu.memory_space<vmem>>[vector<16xi32>], vector<16xf32>, vector<16xi1>
      tpu.vector_store_idx %arg9[%select_n3A_175], %broadcast_in_dim3A_5 masked %and3A_172 {add = true} : memref<64xf32, #tpu.memory_space<vmem>>[vector<16xi32>], vector<16xf32>, vector<16xi1>
    }
    %scan3A_26 = arith.constant 128 : i32
    %add3A_27 = arith.constant 8192 : i32
    %add3A_28 = arith.addi %mul3A_2, %add3A_27 : i32
    "tpu.region"() ({
      %run_scoped3A = tpu.sem_alloc : memref<!tpu.dma_semaphore, #tpu.memory_space<semaphore_mem>>
      %dma_start3A = tpu.memref_slice %arg2[%add3A_28] : memref<65536xi32, #tpu.memory_space<hbm>> -> memref<8192xi32, #tpu.memory_space<hbm>>
      %dma_start3A_65 = tpu.memref_slice %arg2[%add3A_28] : memref<65536xi32, #tpu.memory_space<hbm>> -> memref<8192xi32, #tpu.memory_space<hbm>>
      tpu.enqueue_dma source(%dma_start3A_65 : memref<8192xi32, #tpu.memory_space<hbm>>) target(%arg6 : memref<8192xi32, #tpu.memory_space<vmem>>) target_semaphore(%run_scoped3A : memref<!tpu.dma_semaphore, #tpu.memory_space<semaphore_mem>>)
      %dma_wait3A = tpu.memref_slice %arg2[%add3A_28] : memref<65536xi32, #tpu.memory_space<hbm>> -> memref<8192xi32, #tpu.memory_space<hbm>>
      %dma_wait3A_66 = tpu.memref_slice %arg2[%add3A_28] : memref<65536xi32, #tpu.memory_space<hbm>> -> memref<8192xi32, #tpu.memory_space<hbm>>
      tpu.wait_dma2 semaphore(%run_scoped3A : memref<!tpu.dma_semaphore, #tpu.memory_space<semaphore_mem>>) src(%dma_wait3A_66 : memref<8192xi32, #tpu.memory_space<hbm>>) dst(%arg6 : memref<8192xi32, #tpu.memory_space<vmem>>)
      tpu.yield
    }) : () -> ()
    %add3A_29 = arith.constant 8192 : i32
    %add3A_30 = arith.addi %mul3A_2, %add3A_29 : i32
    "tpu.region"() ({
      %run_scoped3A = tpu.sem_alloc : memref<!tpu.dma_semaphore, #tpu.memory_space<semaphore_mem>>
      %dma_start3A = tpu.memref_slice %arg3[%add3A_30] : memref<65536xi32, #tpu.memory_space<hbm>> -> memref<8192xi32, #tpu.memory_space<hbm>>
      %dma_start3A_65 = tpu.memref_slice %arg3[%add3A_30] : memref<65536xi32, #tpu.memory_space<hbm>> -> memref<8192xi32, #tpu.memory_space<hbm>>
      tpu.enqueue_dma source(%dma_start3A_65 : memref<8192xi32, #tpu.memory_space<hbm>>) target(%arg7 : memref<8192xi32, #tpu.memory_space<vmem>>) target_semaphore(%run_scoped3A : memref<!tpu.dma_semaphore, #tpu.memory_space<semaphore_mem>>)
      %dma_wait3A = tpu.memref_slice %arg3[%add3A_30] : memref<65536xi32, #tpu.memory_space<hbm>> -> memref<8192xi32, #tpu.memory_space<hbm>>
      %dma_wait3A_66 = tpu.memref_slice %arg3[%add3A_30] : memref<65536xi32, #tpu.memory_space<hbm>> -> memref<8192xi32, #tpu.memory_space<hbm>>
      tpu.wait_dma2 semaphore(%run_scoped3A : memref<!tpu.dma_semaphore, #tpu.memory_space<semaphore_mem>>) src(%dma_wait3A_66 : memref<8192xi32, #tpu.memory_space<hbm>>) dst(%arg7 : memref<8192xi32, #tpu.memory_space<vmem>>)
      tpu.yield
    }) : () -> ()
    %scan3A_31 = arith.constant 0 : i32
    %scan3A_32 = arith.constant 0 : i32
    %scan3A_33 = arith.constant 128 : i32
    %scan3A_34 = arith.addi %scan3A_32, %scan3A_33 : i32
    %scan3A_35 = arith.constant 1 : i32
    scf.for %scan3A_65 = %scan3A_32 to %scan3A_34 step %scan3A_35  : i32 {
      %mul3A_66 = arith.constant 64 : i32
      %mul3A_67 = arith.muli %scan3A_65, %mul3A_66 : i32
      %add3A_68 = arith.constant 0 : i32
      %add3A_69 = arith.addi %mul3A_67, %add3A_68 : i32
      %get3A = arith.index_cast %add3A_69 : i32 to index
      %get3A_70 = tpu.vector_load %arg6[%get3A] {strides = array<i32>} : memref<8192xi32, #tpu.memory_space<vmem>>, vector<16xi32>,
      %mul3A_71 = arith.constant 64 : i32
      %mul3A_72 = arith.muli %scan3A_65, %mul3A_71 : i32
      %add3A_73 = arith.constant 0 : i32
      %add3A_74 = arith.addi %mul3A_72, %add3A_73 : i32
      %get3A_75 = arith.index_cast %add3A_74 : i32 to index
      %get3A_76 = tpu.vector_load %arg7[%get3A_75] {strides = array<i32>} : memref<8192xi32, #tpu.memory_space<vmem>>, vector<16xi32>,
      %sub3A = vector.broadcast %mul3A_0 : i32 to vector<16xi32>
      %sub3A_77 = arith.subi %get3A_76, %sub3A : vector<16xi32>
      %ge3A = arith.constant 0 : i32
      %ge3A_78 = vector.broadcast %ge3A : i32 to vector<16xi32>
      %ge3A_79 = arith.cmpi sge, %sub3A_77, %ge3A_78 : vector<16xi32>
      %lt3A = arith.constant 64 : i32
      %lt3A_80 = vector.broadcast %lt3A : i32 to vector<16xi32>
      %lt3A_81 = arith.cmpi slt, %sub3A_77, %lt3A_80 : vector<16xi32>
      %and3A = arith.andi %ge3A_79, %lt3A_81 : vector<16xi1>
      %jit3A = arith.constant 0 : i32
      %broadcast_in_dim3A_82 = vector.broadcast %jit3A : i32 to vector<16xi32>
      %select_n3A = arith.select %and3A, %sub3A_77, %broadcast_in_dim3A_82 : vector<16xi1>, vector<16xi32>
      %mul3A_83 = arith.constant 1024 : i32
      %mul3A_84 = vector.broadcast %mul3A_83 : i32 to vector<16xi32>
      %mul3A_85 = arith.muli %select_n3A, %mul3A_84 : vector<16xi32>
      %jit3A_86 = arith.constant 0 : i32
      %broadcast_in_dim3A_87 = vector.broadcast %jit3A_86 : i32 to vector<16xi32>
      %select_n3A_88 = arith.select %and3A, %get3A_70, %broadcast_in_dim3A_87 : vector<16xi1>, vector<16xi32>
      %add3A_89 = arith.addi %mul3A_85, %select_n3A_88 : vector<16xi32>
      tpu.vector_store_idx %arg8[%add3A_89], %broadcast_in_dim3A_5 masked %and3A {add = true} : memref<65536xf32, #tpu.memory_space<vmem>>[vector<16xi32>], vector<16xf32>, vector<16xi1>
      tpu.vector_store_idx %arg9[%select_n3A], %broadcast_in_dim3A_5 masked %and3A {add = true} : memref<64xf32, #tpu.memory_space<vmem>>[vector<16xi32>], vector<16xf32>, vector<16xi1>
      %mul3A_90 = arith.constant 64 : i32
      %mul3A_91 = arith.muli %scan3A_65, %mul3A_90 : i32
      %add3A_92 = arith.constant 16 : i32
      %add3A_93 = arith.addi %mul3A_91, %add3A_92 : i32
      %get3A_94 = arith.index_cast %add3A_93 : i32 to index
      %get3A_95 = tpu.vector_load %arg6[%get3A_94] {strides = array<i32>} : memref<8192xi32, #tpu.memory_space<vmem>>, vector<16xi32>,
      %mul3A_96 = arith.constant 64 : i32
      %mul3A_97 = arith.muli %scan3A_65, %mul3A_96 : i32
      %add3A_98 = arith.constant 16 : i32
      %add3A_99 = arith.addi %mul3A_97, %add3A_98 : i32
      %get3A_100 = arith.index_cast %add3A_99 : i32 to index
      %get3A_101 = tpu.vector_load %arg7[%get3A_100] {strides = array<i32>} : memref<8192xi32, #tpu.memory_space<vmem>>, vector<16xi32>,
      %sub3A_102 = vector.broadcast %mul3A_0 : i32 to vector<16xi32>
      %sub3A_103 = arith.subi %get3A_101, %sub3A_102 : vector<16xi32>
      %ge3A_104 = arith.constant 0 : i32
      %ge3A_105 = vector.broadcast %ge3A_104 : i32 to vector<16xi32>
      %ge3A_106 = arith.cmpi sge, %sub3A_103, %ge3A_105 : vector<16xi32>
      %lt3A_107 = arith.constant 64 : i32
      %lt3A_108 = vector.broadcast %lt3A_107 : i32 to vector<16xi32>
      %lt3A_109 = arith.cmpi slt, %sub3A_103, %lt3A_108 : vector<16xi32>
      %and3A_110 = arith.andi %ge3A_106, %lt3A_109 : vector<16xi1>
      %jit3A_111 = arith.constant 0 : i32
      %broadcast_in_dim3A_112 = vector.broadcast %jit3A_111 : i32 to vector<16xi32>
      %select_n3A_113 = arith.select %and3A_110, %sub3A_103, %broadcast_in_dim3A_112 : vector<16xi1>, vector<16xi32>
      %mul3A_114 = arith.constant 1024 : i32
      %mul3A_115 = vector.broadcast %mul3A_114 : i32 to vector<16xi32>
      %mul3A_116 = arith.muli %select_n3A_113, %mul3A_115 : vector<16xi32>
      %jit3A_117 = arith.constant 0 : i32
      %broadcast_in_dim3A_118 = vector.broadcast %jit3A_117 : i32 to vector<16xi32>
      %select_n3A_119 = arith.select %and3A_110, %get3A_95, %broadcast_in_dim3A_118 : vector<16xi1>, vector<16xi32>
      %add3A_120 = arith.addi %mul3A_116, %select_n3A_119 : vector<16xi32>
      tpu.vector_store_idx %arg8[%add3A_120], %broadcast_in_dim3A_5 masked %and3A_110 {add = true} : memref<65536xf32, #tpu.memory_space<vmem>>[vector<16xi32>], vector<16xf32>, vector<16xi1>
      tpu.vector_store_idx %arg9[%select_n3A_113], %broadcast_in_dim3A_5 masked %and3A_110 {add = true} : memref<64xf32, #tpu.memory_space<vmem>>[vector<16xi32>], vector<16xf32>, vector<16xi1>
      %mul3A_121 = arith.constant 64 : i32
      %mul3A_122 = arith.muli %scan3A_65, %mul3A_121 : i32
      %add3A_123 = arith.constant 32 : i32
      %add3A_124 = arith.addi %mul3A_122, %add3A_123 : i32
      %get3A_125 = arith.index_cast %add3A_124 : i32 to index
      %get3A_126 = tpu.vector_load %arg6[%get3A_125] {strides = array<i32>} : memref<8192xi32, #tpu.memory_space<vmem>>, vector<16xi32>,
      %mul3A_127 = arith.constant 64 : i32
      %mul3A_128 = arith.muli %scan3A_65, %mul3A_127 : i32
      %add3A_129 = arith.constant 32 : i32
      %add3A_130 = arith.addi %mul3A_128, %add3A_129 : i32
      %get3A_131 = arith.index_cast %add3A_130 : i32 to index
      %get3A_132 = tpu.vector_load %arg7[%get3A_131] {strides = array<i32>} : memref<8192xi32, #tpu.memory_space<vmem>>, vector<16xi32>,
      %sub3A_133 = vector.broadcast %mul3A_0 : i32 to vector<16xi32>
      %sub3A_134 = arith.subi %get3A_132, %sub3A_133 : vector<16xi32>
      %ge3A_135 = arith.constant 0 : i32
      %ge3A_136 = vector.broadcast %ge3A_135 : i32 to vector<16xi32>
      %ge3A_137 = arith.cmpi sge, %sub3A_134, %ge3A_136 : vector<16xi32>
      %lt3A_138 = arith.constant 64 : i32
      %lt3A_139 = vector.broadcast %lt3A_138 : i32 to vector<16xi32>
      %lt3A_140 = arith.cmpi slt, %sub3A_134, %lt3A_139 : vector<16xi32>
      %and3A_141 = arith.andi %ge3A_137, %lt3A_140 : vector<16xi1>
      %jit3A_142 = arith.constant 0 : i32
      %broadcast_in_dim3A_143 = vector.broadcast %jit3A_142 : i32 to vector<16xi32>
      %select_n3A_144 = arith.select %and3A_141, %sub3A_134, %broadcast_in_dim3A_143 : vector<16xi1>, vector<16xi32>
      %mul3A_145 = arith.constant 1024 : i32
      %mul3A_146 = vector.broadcast %mul3A_145 : i32 to vector<16xi32>
      %mul3A_147 = arith.muli %select_n3A_144, %mul3A_146 : vector<16xi32>
      %jit3A_148 = arith.constant 0 : i32
      %broadcast_in_dim3A_149 = vector.broadcast %jit3A_148 : i32 to vector<16xi32>
      %select_n3A_150 = arith.select %and3A_141, %get3A_126, %broadcast_in_dim3A_149 : vector<16xi1>, vector<16xi32>
      %add3A_151 = arith.addi %mul3A_147, %select_n3A_150 : vector<16xi32>
      tpu.vector_store_idx %arg8[%add3A_151], %broadcast_in_dim3A_5 masked %and3A_141 {add = true} : memref<65536xf32, #tpu.memory_space<vmem>>[vector<16xi32>], vector<16xf32>, vector<16xi1>
      tpu.vector_store_idx %arg9[%select_n3A_144], %broadcast_in_dim3A_5 masked %and3A_141 {add = true} : memref<64xf32, #tpu.memory_space<vmem>>[vector<16xi32>], vector<16xf32>, vector<16xi1>
      %mul3A_152 = arith.constant 64 : i32
      %mul3A_153 = arith.muli %scan3A_65, %mul3A_152 : i32
      %add3A_154 = arith.constant 48 : i32
      %add3A_155 = arith.addi %mul3A_153, %add3A_154 : i32
      %get3A_156 = arith.index_cast %add3A_155 : i32 to index
      %get3A_157 = tpu.vector_load %arg6[%get3A_156] {strides = array<i32>} : memref<8192xi32, #tpu.memory_space<vmem>>, vector<16xi32>,
      %mul3A_158 = arith.constant 64 : i32
      %mul3A_159 = arith.muli %scan3A_65, %mul3A_158 : i32
      %add3A_160 = arith.constant 48 : i32
      %add3A_161 = arith.addi %mul3A_159, %add3A_160 : i32
      %get3A_162 = arith.index_cast %add3A_161 : i32 to index
      %get3A_163 = tpu.vector_load %arg7[%get3A_162] {strides = array<i32>} : memref<8192xi32, #tpu.memory_space<vmem>>, vector<16xi32>,
      %sub3A_164 = vector.broadcast %mul3A_0 : i32 to vector<16xi32>
      %sub3A_165 = arith.subi %get3A_163, %sub3A_164 : vector<16xi32>
      %ge3A_166 = arith.constant 0 : i32
      %ge3A_167 = vector.broadcast %ge3A_166 : i32 to vector<16xi32>
      %ge3A_168 = arith.cmpi sge, %sub3A_165, %ge3A_167 : vector<16xi32>
      %lt3A_169 = arith.constant 64 : i32
      %lt3A_170 = vector.broadcast %lt3A_169 : i32 to vector<16xi32>
      %lt3A_171 = arith.cmpi slt, %sub3A_165, %lt3A_170 : vector<16xi32>
      %and3A_172 = arith.andi %ge3A_168, %lt3A_171 : vector<16xi1>
      %jit3A_173 = arith.constant 0 : i32
      %broadcast_in_dim3A_174 = vector.broadcast %jit3A_173 : i32 to vector<16xi32>
      %select_n3A_175 = arith.select %and3A_172, %sub3A_165, %broadcast_in_dim3A_174 : vector<16xi1>, vector<16xi32>
      %mul3A_176 = arith.constant 1024 : i32
      %mul3A_177 = vector.broadcast %mul3A_176 : i32 to vector<16xi32>
      %mul3A_178 = arith.muli %select_n3A_175, %mul3A_177 : vector<16xi32>
      %jit3A_179 = arith.constant 0 : i32
      %broadcast_in_dim3A_180 = vector.broadcast %jit3A_179 : i32 to vector<16xi32>
      %select_n3A_181 = arith.select %and3A_172, %get3A_157, %broadcast_in_dim3A_180 : vector<16xi1>, vector<16xi32>
      %add3A_182 = arith.addi %mul3A_178, %select_n3A_181 : vector<16xi32>
      tpu.vector_store_idx %arg8[%add3A_182], %broadcast_in_dim3A_5 masked %and3A_172 {add = true} : memref<65536xf32, #tpu.memory_space<vmem>>[vector<16xi32>], vector<16xf32>, vector<16xi1>
      tpu.vector_store_idx %arg9[%select_n3A_175], %broadcast_in_dim3A_5 masked %and3A_172 {add = true} : memref<64xf32, #tpu.memory_space<vmem>>[vector<16xi32>], vector<16xf32>, vector<16xi1>
    }
    %scan3A_36 = arith.constant 128 : i32
    %add3A_37 = arith.constant 16384 : i32
    %add3A_38 = arith.addi %mul3A_2, %add3A_37 : i32
    "tpu.region"() ({
      %run_scoped3A = tpu.sem_alloc : memref<!tpu.dma_semaphore, #tpu.memory_space<semaphore_mem>>
      %dma_start3A = tpu.memref_slice %arg2[%add3A_38] : memref<65536xi32, #tpu.memory_space<hbm>> -> memref<8192xi32, #tpu.memory_space<hbm>>
      %dma_start3A_65 = tpu.memref_slice %arg2[%add3A_38] : memref<65536xi32, #tpu.memory_space<hbm>> -> memref<8192xi32, #tpu.memory_space<hbm>>
      tpu.enqueue_dma source(%dma_start3A_65 : memref<8192xi32, #tpu.memory_space<hbm>>) target(%arg6 : memref<8192xi32, #tpu.memory_space<vmem>>) target_semaphore(%run_scoped3A : memref<!tpu.dma_semaphore, #tpu.memory_space<semaphore_mem>>)
      %dma_wait3A = tpu.memref_slice %arg2[%add3A_38] : memref<65536xi32, #tpu.memory_space<hbm>> -> memref<8192xi32, #tpu.memory_space<hbm>>
      %dma_wait3A_66 = tpu.memref_slice %arg2[%add3A_38] : memref<65536xi32, #tpu.memory_space<hbm>> -> memref<8192xi32, #tpu.memory_space<hbm>>
      tpu.wait_dma2 semaphore(%run_scoped3A : memref<!tpu.dma_semaphore, #tpu.memory_space<semaphore_mem>>) src(%dma_wait3A_66 : memref<8192xi32, #tpu.memory_space<hbm>>) dst(%arg6 : memref<8192xi32, #tpu.memory_space<vmem>>)
      tpu.yield
    }) : () -> ()
    %add3A_39 = arith.constant 16384 : i32
    %add3A_40 = arith.addi %mul3A_2, %add3A_39 : i32
    "tpu.region"() ({
      %run_scoped3A = tpu.sem_alloc : memref<!tpu.dma_semaphore, #tpu.memory_space<semaphore_mem>>
      %dma_start3A = tpu.memref_slice %arg3[%add3A_40] : memref<65536xi32, #tpu.memory_space<hbm>> -> memref<8192xi32, #tpu.memory_space<hbm>>
      %dma_start3A_65 = tpu.memref_slice %arg3[%add3A_40] : memref<65536xi32, #tpu.memory_space<hbm>> -> memref<8192xi32, #tpu.memory_space<hbm>>
      tpu.enqueue_dma source(%dma_start3A_65 : memref<8192xi32, #tpu.memory_space<hbm>>) target(%arg7 : memref<8192xi32, #tpu.memory_space<vmem>>) target_semaphore(%run_scoped3A : memref<!tpu.dma_semaphore, #tpu.memory_space<semaphore_mem>>)
      %dma_wait3A = tpu.memref_slice %arg3[%add3A_40] : memref<65536xi32, #tpu.memory_space<hbm>> -> memref<8192xi32, #tpu.memory_space<hbm>>
      %dma_wait3A_66 = tpu.memref_slice %arg3[%add3A_40] : memref<65536xi32, #tpu.memory_space<hbm>> -> memref<8192xi32, #tpu.memory_space<hbm>>
      tpu.wait_dma2 semaphore(%run_scoped3A : memref<!tpu.dma_semaphore, #tpu.memory_space<semaphore_mem>>) src(%dma_wait3A_66 : memref<8192xi32, #tpu.memory_space<hbm>>) dst(%arg7 : memref<8192xi32, #tpu.memory_space<vmem>>)
      tpu.yield
    }) : () -> ()
    %scan3A_41 = arith.constant 0 : i32
    %scan3A_42 = arith.constant 0 : i32
    %scan3A_43 = arith.constant 128 : i32
    %scan3A_44 = arith.addi %scan3A_42, %scan3A_43 : i32
    %scan3A_45 = arith.constant 1 : i32
    scf.for %scan3A_65 = %scan3A_42 to %scan3A_44 step %scan3A_45  : i32 {
      %mul3A_66 = arith.constant 64 : i32
      %mul3A_67 = arith.muli %scan3A_65, %mul3A_66 : i32
      %add3A_68 = arith.constant 0 : i32
      %add3A_69 = arith.addi %mul3A_67, %add3A_68 : i32
      %get3A = arith.index_cast %add3A_69 : i32 to index
      %get3A_70 = tpu.vector_load %arg6[%get3A] {strides = array<i32>} : memref<8192xi32, #tpu.memory_space<vmem>>, vector<16xi32>,
      %mul3A_71 = arith.constant 64 : i32
      %mul3A_72 = arith.muli %scan3A_65, %mul3A_71 : i32
      %add3A_73 = arith.constant 0 : i32
      %add3A_74 = arith.addi %mul3A_72, %add3A_73 : i32
      %get3A_75 = arith.index_cast %add3A_74 : i32 to index
      %get3A_76 = tpu.vector_load %arg7[%get3A_75] {strides = array<i32>} : memref<8192xi32, #tpu.memory_space<vmem>>, vector<16xi32>,
      %sub3A = vector.broadcast %mul3A_0 : i32 to vector<16xi32>
      %sub3A_77 = arith.subi %get3A_76, %sub3A : vector<16xi32>
      %ge3A = arith.constant 0 : i32
      %ge3A_78 = vector.broadcast %ge3A : i32 to vector<16xi32>
      %ge3A_79 = arith.cmpi sge, %sub3A_77, %ge3A_78 : vector<16xi32>
      %lt3A = arith.constant 64 : i32
      %lt3A_80 = vector.broadcast %lt3A : i32 to vector<16xi32>
      %lt3A_81 = arith.cmpi slt, %sub3A_77, %lt3A_80 : vector<16xi32>
      %and3A = arith.andi %ge3A_79, %lt3A_81 : vector<16xi1>
      %jit3A = arith.constant 0 : i32
      %broadcast_in_dim3A_82 = vector.broadcast %jit3A : i32 to vector<16xi32>
      %select_n3A = arith.select %and3A, %sub3A_77, %broadcast_in_dim3A_82 : vector<16xi1>, vector<16xi32>
      %mul3A_83 = arith.constant 1024 : i32
      %mul3A_84 = vector.broadcast %mul3A_83 : i32 to vector<16xi32>
      %mul3A_85 = arith.muli %select_n3A, %mul3A_84 : vector<16xi32>
      %jit3A_86 = arith.constant 0 : i32
      %broadcast_in_dim3A_87 = vector.broadcast %jit3A_86 : i32 to vector<16xi32>
      %select_n3A_88 = arith.select %and3A, %get3A_70, %broadcast_in_dim3A_87 : vector<16xi1>, vector<16xi32>
      %add3A_89 = arith.addi %mul3A_85, %select_n3A_88 : vector<16xi32>
      tpu.vector_store_idx %arg8[%add3A_89], %broadcast_in_dim3A_5 masked %and3A {add = true} : memref<65536xf32, #tpu.memory_space<vmem>>[vector<16xi32>], vector<16xf32>, vector<16xi1>
      tpu.vector_store_idx %arg9[%select_n3A], %broadcast_in_dim3A_5 masked %and3A {add = true} : memref<64xf32, #tpu.memory_space<vmem>>[vector<16xi32>], vector<16xf32>, vector<16xi1>
      %mul3A_90 = arith.constant 64 : i32
      %mul3A_91 = arith.muli %scan3A_65, %mul3A_90 : i32
      %add3A_92 = arith.constant 16 : i32
      %add3A_93 = arith.addi %mul3A_91, %add3A_92 : i32
      %get3A_94 = arith.index_cast %add3A_93 : i32 to index
      %get3A_95 = tpu.vector_load %arg6[%get3A_94] {strides = array<i32>} : memref<8192xi32, #tpu.memory_space<vmem>>, vector<16xi32>,
      %mul3A_96 = arith.constant 64 : i32
      %mul3A_97 = arith.muli %scan3A_65, %mul3A_96 : i32
      %add3A_98 = arith.constant 16 : i32
      %add3A_99 = arith.addi %mul3A_97, %add3A_98 : i32
      %get3A_100 = arith.index_cast %add3A_99 : i32 to index
      %get3A_101 = tpu.vector_load %arg7[%get3A_100] {strides = array<i32>} : memref<8192xi32, #tpu.memory_space<vmem>>, vector<16xi32>,
      %sub3A_102 = vector.broadcast %mul3A_0 : i32 to vector<16xi32>
      %sub3A_103 = arith.subi %get3A_101, %sub3A_102 : vector<16xi32>
      %ge3A_104 = arith.constant 0 : i32
      %ge3A_105 = vector.broadcast %ge3A_104 : i32 to vector<16xi32>
      %ge3A_106 = arith.cmpi sge, %sub3A_103, %ge3A_105 : vector<16xi32>
      %lt3A_107 = arith.constant 64 : i32
      %lt3A_108 = vector.broadcast %lt3A_107 : i32 to vector<16xi32>
      %lt3A_109 = arith.cmpi slt, %sub3A_103, %lt3A_108 : vector<16xi32>
      %and3A_110 = arith.andi %ge3A_106, %lt3A_109 : vector<16xi1>
      %jit3A_111 = arith.constant 0 : i32
      %broadcast_in_dim3A_112 = vector.broadcast %jit3A_111 : i32 to vector<16xi32>
      %select_n3A_113 = arith.select %and3A_110, %sub3A_103, %broadcast_in_dim3A_112 : vector<16xi1>, vector<16xi32>
      %mul3A_114 = arith.constant 1024 : i32
      %mul3A_115 = vector.broadcast %mul3A_114 : i32 to vector<16xi32>
      %mul3A_116 = arith.muli %select_n3A_113, %mul3A_115 : vector<16xi32>
      %jit3A_117 = arith.constant 0 : i32
      %broadcast_in_dim3A_118 = vector.broadcast %jit3A_117 : i32 to vector<16xi32>
      %select_n3A_119 = arith.select %and3A_110, %get3A_95, %broadcast_in_dim3A_118 : vector<16xi1>, vector<16xi32>
      %add3A_120 = arith.addi %mul3A_116, %select_n3A_119 : vector<16xi32>
      tpu.vector_store_idx %arg8[%add3A_120], %broadcast_in_dim3A_5 masked %and3A_110 {add = true} : memref<65536xf32, #tpu.memory_space<vmem>>[vector<16xi32>], vector<16xf32>, vector<16xi1>
      tpu.vector_store_idx %arg9[%select_n3A_113], %broadcast_in_dim3A_5 masked %and3A_110 {add = true} : memref<64xf32, #tpu.memory_space<vmem>>[vector<16xi32>], vector<16xf32>, vector<16xi1>
      %mul3A_121 = arith.constant 64 : i32
      %mul3A_122 = arith.muli %scan3A_65, %mul3A_121 : i32
      %add3A_123 = arith.constant 32 : i32
      %add3A_124 = arith.addi %mul3A_122, %add3A_123 : i32
      %get3A_125 = arith.index_cast %add3A_124 : i32 to index
      %get3A_126 = tpu.vector_load %arg6[%get3A_125] {strides = array<i32>} : memref<8192xi32, #tpu.memory_space<vmem>>, vector<16xi32>,
      %mul3A_127 = arith.constant 64 : i32
      %mul3A_128 = arith.muli %scan3A_65, %mul3A_127 : i32
      %add3A_129 = arith.constant 32 : i32
      %add3A_130 = arith.addi %mul3A_128, %add3A_129 : i32
      %get3A_131 = arith.index_cast %add3A_130 : i32 to index
      %get3A_132 = tpu.vector_load %arg7[%get3A_131] {strides = array<i32>} : memref<8192xi32, #tpu.memory_space<vmem>>, vector<16xi32>,
      %sub3A_133 = vector.broadcast %mul3A_0 : i32 to vector<16xi32>
      %sub3A_134 = arith.subi %get3A_132, %sub3A_133 : vector<16xi32>
      %ge3A_135 = arith.constant 0 : i32
      %ge3A_136 = vector.broadcast %ge3A_135 : i32 to vector<16xi32>
      %ge3A_137 = arith.cmpi sge, %sub3A_134, %ge3A_136 : vector<16xi32>
      %lt3A_138 = arith.constant 64 : i32
      %lt3A_139 = vector.broadcast %lt3A_138 : i32 to vector<16xi32>
      %lt3A_140 = arith.cmpi slt, %sub3A_134, %lt3A_139 : vector<16xi32>
      %and3A_141 = arith.andi %ge3A_137, %lt3A_140 : vector<16xi1>
      %jit3A_142 = arith.constant 0 : i32
      %broadcast_in_dim3A_143 = vector.broadcast %jit3A_142 : i32 to vector<16xi32>
      %select_n3A_144 = arith.select %and3A_141, %sub3A_134, %broadcast_in_dim3A_143 : vector<16xi1>, vector<16xi32>
      %mul3A_145 = arith.constant 1024 : i32
      %mul3A_146 = vector.broadcast %mul3A_145 : i32 to vector<16xi32>
      %mul3A_147 = arith.muli %select_n3A_144, %mul3A_146 : vector<16xi32>
      %jit3A_148 = arith.constant 0 : i32
      %broadcast_in_dim3A_149 = vector.broadcast %jit3A_148 : i32 to vector<16xi32>
      %select_n3A_150 = arith.select %and3A_141, %get3A_126, %broadcast_in_dim3A_149 : vector<16xi1>, vector<16xi32>
      %add3A_151 = arith.addi %mul3A_147, %select_n3A_150 : vector<16xi32>
      tpu.vector_store_idx %arg8[%add3A_151], %broadcast_in_dim3A_5 masked %and3A_141 {add = true} : memref<65536xf32, #tpu.memory_space<vmem>>[vector<16xi32>], vector<16xf32>, vector<16xi1>
      tpu.vector_store_idx %arg9[%select_n3A_144], %broadcast_in_dim3A_5 masked %and3A_141 {add = true} : memref<64xf32, #tpu.memory_space<vmem>>[vector<16xi32>], vector<16xf32>, vector<16xi1>
      %mul3A_152 = arith.constant 64 : i32
      %mul3A_153 = arith.muli %scan3A_65, %mul3A_152 : i32
      %add3A_154 = arith.constant 48 : i32
      %add3A_155 = arith.addi %mul3A_153, %add3A_154 : i32
      %get3A_156 = arith.index_cast %add3A_155 : i32 to index
      %get3A_157 = tpu.vector_load %arg6[%get3A_156] {strides = array<i32>} : memref<8192xi32, #tpu.memory_space<vmem>>, vector<16xi32>,
      %mul3A_158 = arith.constant 64 : i32
      %mul3A_159 = arith.muli %scan3A_65, %mul3A_158 : i32
      %add3A_160 = arith.constant 48 : i32
      %add3A_161 = arith.addi %mul3A_159, %add3A_160 : i32
      %get3A_162 = arith.index_cast %add3A_161 : i32 to index
      %get3A_163 = tpu.vector_load %arg7[%get3A_162] {strides = array<i32>} : memref<8192xi32, #tpu.memory_space<vmem>>, vector<16xi32>,
      %sub3A_164 = vector.broadcast %mul3A_0 : i32 to vector<16xi32>
      %sub3A_165 = arith.subi %get3A_163, %sub3A_164 : vector<16xi32>
      %ge3A_166 = arith.constant 0 : i32
      %ge3A_167 = vector.broadcast %ge3A_166 : i32 to vector<16xi32>
      %ge3A_168 = arith.cmpi sge, %sub3A_165, %ge3A_167 : vector<16xi32>
      %lt3A_169 = arith.constant 64 : i32
      %lt3A_170 = vector.broadcast %lt3A_169 : i32 to vector<16xi32>
      %lt3A_171 = arith.cmpi slt, %sub3A_165, %lt3A_170 : vector<16xi32>
      %and3A_172 = arith.andi %ge3A_168, %lt3A_171 : vector<16xi1>
      %jit3A_173 = arith.constant 0 : i32
      %broadcast_in_dim3A_174 = vector.broadcast %jit3A_173 : i32 to vector<16xi32>
      %select_n3A_175 = arith.select %and3A_172, %sub3A_165, %broadcast_in_dim3A_174 : vector<16xi1>, vector<16xi32>
      %mul3A_176 = arith.constant 1024 : i32
      %mul3A_177 = vector.broadcast %mul3A_176 : i32 to vector<16xi32>
      %mul3A_178 = arith.muli %select_n3A_175, %mul3A_177 : vector<16xi32>
      %jit3A_179 = arith.constant 0 : i32
      %broadcast_in_dim3A_180 = vector.broadcast %jit3A_179 : i32 to vector<16xi32>
      %select_n3A_181 = arith.select %and3A_172, %get3A_157, %broadcast_in_dim3A_180 : vector<16xi1>, vector<16xi32>
      %add3A_182 = arith.addi %mul3A_178, %select_n3A_181 : vector<16xi32>
      tpu.vector_store_idx %arg8[%add3A_182], %broadcast_in_dim3A_5 masked %and3A_172 {add = true} : memref<65536xf32, #tpu.memory_space<vmem>>[vector<16xi32>], vector<16xf32>, vector<16xi1>
      tpu.vector_store_idx %arg9[%select_n3A_175], %broadcast_in_dim3A_5 masked %and3A_172 {add = true} : memref<64xf32, #tpu.memory_space<vmem>>[vector<16xi32>], vector<16xf32>, vector<16xi1>
    }
    %scan3A_46 = arith.constant 128 : i32
    %add3A_47 = arith.constant 24576 : i32
    %add3A_48 = arith.addi %mul3A_2, %add3A_47 : i32
    "tpu.region"() ({
      %run_scoped3A = tpu.sem_alloc : memref<!tpu.dma_semaphore, #tpu.memory_space<semaphore_mem>>
      %dma_start3A = tpu.memref_slice %arg2[%add3A_48] : memref<65536xi32, #tpu.memory_space<hbm>> -> memref<8192xi32, #tpu.memory_space<hbm>>
      %dma_start3A_65 = tpu.memref_slice %arg2[%add3A_48] : memref<65536xi32, #tpu.memory_space<hbm>> -> memref<8192xi32, #tpu.memory_space<hbm>>
      tpu.enqueue_dma source(%dma_start3A_65 : memref<8192xi32, #tpu.memory_space<hbm>>) target(%arg6 : memref<8192xi32, #tpu.memory_space<vmem>>) target_semaphore(%run_scoped3A : memref<!tpu.dma_semaphore, #tpu.memory_space<semaphore_mem>>)
      %dma_wait3A = tpu.memref_slice %arg2[%add3A_48] : memref<65536xi32, #tpu.memory_space<hbm>> -> memref<8192xi32, #tpu.memory_space<hbm>>
      %dma_wait3A_66 = tpu.memref_slice %arg2[%add3A_48] : memref<65536xi32, #tpu.memory_space<hbm>> -> memref<8192xi32, #tpu.memory_space<hbm>>
      tpu.wait_dma2 semaphore(%run_scoped3A : memref<!tpu.dma_semaphore, #tpu.memory_space<semaphore_mem>>) src(%dma_wait3A_66 : memref<8192xi32, #tpu.memory_space<hbm>>) dst(%arg6 : memref<8192xi32, #tpu.memory_space<vmem>>)
      tpu.yield
    }) : () -> ()
    %add3A_49 = arith.constant 24576 : i32
    %add3A_50 = arith.addi %mul3A_2, %add3A_49 : i32
    "tpu.region"() ({
      %run_scoped3A = tpu.sem_alloc : memref<!tpu.dma_semaphore, #tpu.memory_space<semaphore_mem>>
      %dma_start3A = tpu.memref_slice %arg3[%add3A_50] : memref<65536xi32, #tpu.memory_space<hbm>> -> memref<8192xi32, #tpu.memory_space<hbm>>
      %dma_start3A_65 = tpu.memref_slice %arg3[%add3A_50] : memref<65536xi32, #tpu.memory_space<hbm>> -> memref<8192xi32, #tpu.memory_space<hbm>>
      tpu.enqueue_dma source(%dma_start3A_65 : memref<8192xi32, #tpu.memory_space<hbm>>) target(%arg7 : memref<8192xi32, #tpu.memory_space<vmem>>) target_semaphore(%run_scoped3A : memref<!tpu.dma_semaphore, #tpu.memory_space<semaphore_mem>>)
      %dma_wait3A = tpu.memref_slice %arg3[%add3A_50] : memref<65536xi32, #tpu.memory_space<hbm>> -> memref<8192xi32, #tpu.memory_space<hbm>>
      %dma_wait3A_66 = tpu.memref_slice %arg3[%add3A_50] : memref<65536xi32, #tpu.memory_space<hbm>> -> memref<8192xi32, #tpu.memory_space<hbm>>
      tpu.wait_dma2 semaphore(%run_scoped3A : memref<!tpu.dma_semaphore, #tpu.memory_space<semaphore_mem>>) src(%dma_wait3A_66 : memref<8192xi32, #tpu.memory_space<hbm>>) dst(%arg7 : memref<8192xi32, #tpu.memory_space<vmem>>)
      tpu.yield
    }) : () -> ()
    %scan3A_51 = arith.constant 0 : i32
    %scan3A_52 = arith.constant 0 : i32
    %scan3A_53 = arith.constant 128 : i32
    %scan3A_54 = arith.addi %scan3A_52, %scan3A_53 : i32
    %scan3A_55 = arith.constant 1 : i32
    scf.for %scan3A_65 = %scan3A_52 to %scan3A_54 step %scan3A_55  : i32 {
      %mul3A_66 = arith.constant 64 : i32
      %mul3A_67 = arith.muli %scan3A_65, %mul3A_66 : i32
      %add3A_68 = arith.constant 0 : i32
      %add3A_69 = arith.addi %mul3A_67, %add3A_68 : i32
      %get3A = arith.index_cast %add3A_69 : i32 to index
      %get3A_70 = tpu.vector_load %arg6[%get3A] {strides = array<i32>} : memref<8192xi32, #tpu.memory_space<vmem>>, vector<16xi32>,
      %mul3A_71 = arith.constant 64 : i32
      %mul3A_72 = arith.muli %scan3A_65, %mul3A_71 : i32
      %add3A_73 = arith.constant 0 : i32
      %add3A_74 = arith.addi %mul3A_72, %add3A_73 : i32
      %get3A_75 = arith.index_cast %add3A_74 : i32 to index
      %get3A_76 = tpu.vector_load %arg7[%get3A_75] {strides = array<i32>} : memref<8192xi32, #tpu.memory_space<vmem>>, vector<16xi32>,
      %sub3A = vector.broadcast %mul3A_0 : i32 to vector<16xi32>
      %sub3A_77 = arith.subi %get3A_76, %sub3A : vector<16xi32>
      %ge3A = arith.constant 0 : i32
      %ge3A_78 = vector.broadcast %ge3A : i32 to vector<16xi32>
      %ge3A_79 = arith.cmpi sge, %sub3A_77, %ge3A_78 : vector<16xi32>
      %lt3A = arith.constant 64 : i32
      %lt3A_80 = vector.broadcast %lt3A : i32 to vector<16xi32>
      %lt3A_81 = arith.cmpi slt, %sub3A_77, %lt3A_80 : vector<16xi32>
      %and3A = arith.andi %ge3A_79, %lt3A_81 : vector<16xi1>
      %jit3A = arith.constant 0 : i32
      %broadcast_in_dim3A_82 = vector.broadcast %jit3A : i32 to vector<16xi32>
      %select_n3A = arith.select %and3A, %sub3A_77, %broadcast_in_dim3A_82 : vector<16xi1>, vector<16xi32>
      %mul3A_83 = arith.constant 1024 : i32
      %mul3A_84 = vector.broadcast %mul3A_83 : i32 to vector<16xi32>
      %mul3A_85 = arith.muli %select_n3A, %mul3A_84 : vector<16xi32>
      %jit3A_86 = arith.constant 0 : i32
      %broadcast_in_dim3A_87 = vector.broadcast %jit3A_86 : i32 to vector<16xi32>
      %select_n3A_88 = arith.select %and3A, %get3A_70, %broadcast_in_dim3A_87 : vector<16xi1>, vector<16xi32>
      %add3A_89 = arith.addi %mul3A_85, %select_n3A_88 : vector<16xi32>
      tpu.vector_store_idx %arg8[%add3A_89], %broadcast_in_dim3A_5 masked %and3A {add = true} : memref<65536xf32, #tpu.memory_space<vmem>>[vector<16xi32>], vector<16xf32>, vector<16xi1>
      tpu.vector_store_idx %arg9[%select_n3A], %broadcast_in_dim3A_5 masked %and3A {add = true} : memref<64xf32, #tpu.memory_space<vmem>>[vector<16xi32>], vector<16xf32>, vector<16xi1>
      %mul3A_90 = arith.constant 64 : i32
      %mul3A_91 = arith.muli %scan3A_65, %mul3A_90 : i32
      %add3A_92 = arith.constant 16 : i32
      %add3A_93 = arith.addi %mul3A_91, %add3A_92 : i32
      %get3A_94 = arith.index_cast %add3A_93 : i32 to index
      %get3A_95 = tpu.vector_load %arg6[%get3A_94] {strides = array<i32>} : memref<8192xi32, #tpu.memory_space<vmem>>, vector<16xi32>,
      %mul3A_96 = arith.constant 64 : i32
      %mul3A_97 = arith.muli %scan3A_65, %mul3A_96 : i32
      %add3A_98 = arith.constant 16 : i32
      %add3A_99 = arith.addi %mul3A_97, %add3A_98 : i32
      %get3A_100 = arith.index_cast %add3A_99 : i32 to index
      %get3A_101 = tpu.vector_load %arg7[%get3A_100] {strides = array<i32>} : memref<8192xi32, #tpu.memory_space<vmem>>, vector<16xi32>,
      %sub3A_102 = vector.broadcast %mul3A_0 : i32 to vector<16xi32>
      %sub3A_103 = arith.subi %get3A_101, %sub3A_102 : vector<16xi32>
      %ge3A_104 = arith.constant 0 : i32
      %ge3A_105 = vector.broadcast %ge3A_104 : i32 to vector<16xi32>
      %ge3A_106 = arith.cmpi sge, %sub3A_103, %ge3A_105 : vector<16xi32>
      %lt3A_107 = arith.constant 64 : i32
      %lt3A_108 = vector.broadcast %lt3A_107 : i32 to vector<16xi32>
      %lt3A_109 = arith.cmpi slt, %sub3A_103, %lt3A_108 : vector<16xi32>
      %and3A_110 = arith.andi %ge3A_106, %lt3A_109 : vector<16xi1>
      %jit3A_111 = arith.constant 0 : i32
      %broadcast_in_dim3A_112 = vector.broadcast %jit3A_111 : i32 to vector<16xi32>
      %select_n3A_113 = arith.select %and3A_110, %sub3A_103, %broadcast_in_dim3A_112 : vector<16xi1>, vector<16xi32>
      %mul3A_114 = arith.constant 1024 : i32
      %mul3A_115 = vector.broadcast %mul3A_114 : i32 to vector<16xi32>
      %mul3A_116 = arith.muli %select_n3A_113, %mul3A_115 : vector<16xi32>
      %jit3A_117 = arith.constant 0 : i32
      %broadcast_in_dim3A_118 = vector.broadcast %jit3A_117 : i32 to vector<16xi32>
      %select_n3A_119 = arith.select %and3A_110, %get3A_95, %broadcast_in_dim3A_118 : vector<16xi1>, vector<16xi32>
      %add3A_120 = arith.addi %mul3A_116, %select_n3A_119 : vector<16xi32>
      tpu.vector_store_idx %arg8[%add3A_120], %broadcast_in_dim3A_5 masked %and3A_110 {add = true} : memref<65536xf32, #tpu.memory_space<vmem>>[vector<16xi32>], vector<16xf32>, vector<16xi1>
      tpu.vector_store_idx %arg9[%select_n3A_113], %broadcast_in_dim3A_5 masked %and3A_110 {add = true} : memref<64xf32, #tpu.memory_space<vmem>>[vector<16xi32>], vector<16xf32>, vector<16xi1>
      %mul3A_121 = arith.constant 64 : i32
      %mul3A_122 = arith.muli %scan3A_65, %mul3A_121 : i32
      %add3A_123 = arith.constant 32 : i32
      %add3A_124 = arith.addi %mul3A_122, %add3A_123 : i32
      %get3A_125 = arith.index_cast %add3A_124 : i32 to index
      %get3A_126 = tpu.vector_load %arg6[%get3A_125] {strides = array<i32>} : memref<8192xi32, #tpu.memory_space<vmem>>, vector<16xi32>,
      %mul3A_127 = arith.constant 64 : i32
      %mul3A_128 = arith.muli %scan3A_65, %mul3A_127 : i32
      %add3A_129 = arith.constant 32 : i32
      %add3A_130 = arith.addi %mul3A_128, %add3A_129 : i32
      %get3A_131 = arith.index_cast %add3A_130 : i32 to index
      %get3A_132 = tpu.vector_load %arg7[%get3A_131] {strides = array<i32>} : memref<8192xi32, #tpu.memory_space<vmem>>, vector<16xi32>,
      %sub3A_133 = vector.broadcast %mul3A_0 : i32 to vector<16xi32>
      %sub3A_134 = arith.subi %get3A_132, %sub3A_133 : vector<16xi32>
      %ge3A_135 = arith.constant 0 : i32
      %ge3A_136 = vector.broadcast %ge3A_135 : i32 to vector<16xi32>
      %ge3A_137 = arith.cmpi sge, %sub3A_134, %ge3A_136 : vector<16xi32>
      %lt3A_138 = arith.constant 64 : i32
      %lt3A_139 = vector.broadcast %lt3A_138 : i32 to vector<16xi32>
      %lt3A_140 = arith.cmpi slt, %sub3A_134, %lt3A_139 : vector<16xi32>
      %and3A_141 = arith.andi %ge3A_137, %lt3A_140 : vector<16xi1>
      %jit3A_142 = arith.constant 0 : i32
      %broadcast_in_dim3A_143 = vector.broadcast %jit3A_142 : i32 to vector<16xi32>
      %select_n3A_144 = arith.select %and3A_141, %sub3A_134, %broadcast_in_dim3A_143 : vector<16xi1>, vector<16xi32>
      %mul3A_145 = arith.constant 1024 : i32
      %mul3A_146 = vector.broadcast %mul3A_145 : i32 to vector<16xi32>
      %mul3A_147 = arith.muli %select_n3A_144, %mul3A_146 : vector<16xi32>
      %jit3A_148 = arith.constant 0 : i32
      %broadcast_in_dim3A_149 = vector.broadcast %jit3A_148 : i32 to vector<16xi32>
      %select_n3A_150 = arith.select %and3A_141, %get3A_126, %broadcast_in_dim3A_149 : vector<16xi1>, vector<16xi32>
      %add3A_151 = arith.addi %mul3A_147, %select_n3A_150 : vector<16xi32>
      tpu.vector_store_idx %arg8[%add3A_151], %broadcast_in_dim3A_5 masked %and3A_141 {add = true} : memref<65536xf32, #tpu.memory_space<vmem>>[vector<16xi32>], vector<16xf32>, vector<16xi1>
      tpu.vector_store_idx %arg9[%select_n3A_144], %broadcast_in_dim3A_5 masked %and3A_141 {add = true} : memref<64xf32, #tpu.memory_space<vmem>>[vector<16xi32>], vector<16xf32>, vector<16xi1>
      %mul3A_152 = arith.constant 64 : i32
      %mul3A_153 = arith.muli %scan3A_65, %mul3A_152 : i32
      %add3A_154 = arith.constant 48 : i32
      %add3A_155 = arith.addi %mul3A_153, %add3A_154 : i32
      %get3A_156 = arith.index_cast %add3A_155 : i32 to index
      %get3A_157 = tpu.vector_load %arg6[%get3A_156] {strides = array<i32>} : memref<8192xi32, #tpu.memory_space<vmem>>, vector<16xi32>,
      %mul3A_158 = arith.constant 64 : i32
      %mul3A_159 = arith.muli %scan3A_65, %mul3A_158 : i32
      %add3A_160 = arith.constant 48 : i32
      %add3A_161 = arith.addi %mul3A_159, %add3A_160 : i32
      %get3A_162 = arith.index_cast %add3A_161 : i32 to index
      %get3A_163 = tpu.vector_load %arg7[%get3A_162] {strides = array<i32>} : memref<8192xi32, #tpu.memory_space<vmem>>, vector<16xi32>,
      %sub3A_164 = vector.broadcast %mul3A_0 : i32 to vector<16xi32>
      %sub3A_165 = arith.subi %get3A_163, %sub3A_164 : vector<16xi32>
      %ge3A_166 = arith.constant 0 : i32
      %ge3A_167 = vector.broadcast %ge3A_166 : i32 to vector<16xi32>
      %ge3A_168 = arith.cmpi sge, %sub3A_165, %ge3A_167 : vector<16xi32>
      %lt3A_169 = arith.constant 64 : i32
      %lt3A_170 = vector.broadcast %lt3A_169 : i32 to vector<16xi32>
      %lt3A_171 = arith.cmpi slt, %sub3A_165, %lt3A_170 : vector<16xi32>
      %and3A_172 = arith.andi %ge3A_168, %lt3A_171 : vector<16xi1>
      %jit3A_173 = arith.constant 0 : i32
      %broadcast_in_dim3A_174 = vector.broadcast %jit3A_173 : i32 to vector<16xi32>
      %select_n3A_175 = arith.select %and3A_172, %sub3A_165, %broadcast_in_dim3A_174 : vector<16xi1>, vector<16xi32>
      %mul3A_176 = arith.constant 1024 : i32
      %mul3A_177 = vector.broadcast %mul3A_176 : i32 to vector<16xi32>
      %mul3A_178 = arith.muli %select_n3A_175, %mul3A_177 : vector<16xi32>
      %jit3A_179 = arith.constant 0 : i32
      %broadcast_in_dim3A_180 = vector.broadcast %jit3A_179 : i32 to vector<16xi32>
      %select_n3A_181 = arith.select %and3A_172, %get3A_157, %broadcast_in_dim3A_180 : vector<16xi1>, vector<16xi32>
      %add3A_182 = arith.addi %mul3A_178, %select_n3A_181 : vector<16xi32>
      tpu.vector_store_idx %arg8[%add3A_182], %broadcast_in_dim3A_5 masked %and3A_172 {add = true} : memref<65536xf32, #tpu.memory_space<vmem>>[vector<16xi32>], vector<16xf32>, vector<16xi1>
      tpu.vector_store_idx %arg9[%select_n3A_175], %broadcast_in_dim3A_5 masked %and3A_172 {add = true} : memref<64xf32, #tpu.memory_space<vmem>>[vector<16xi32>], vector<16xf32>, vector<16xi1>
    }
    %scan3A_56 = arith.constant 128 : i32
    %mul3A_57 = arith.constant 1024 : i32
    %mul3A_58 = arith.muli %arg0, %mul3A_57 : i32
    %add3A_59 = arith.addi %mul3A_58, %mul3A_0 : i32
    %mul3A_60 = arith.constant 1024 : i32
    %mul3A_61 = arith.muli %add3A_59, %mul3A_60 : i32
    "tpu.region"() ({
      %run_scoped3A = tpu.sem_alloc : memref<!tpu.dma_semaphore, #tpu.memory_space<semaphore_mem>>
      %dma_start3A = tpu.memref_slice %arg4[%mul3A_61] : memref<2097152xf32, #tpu.memory_space<hbm>> -> memref<65536xf32, #tpu.memory_space<hbm>>
      %dma_start3A_65 = tpu.memref_slice %arg4[%mul3A_61] : memref<2097152xf32, #tpu.memory_space<hbm>> -> memref<65536xf32, #tpu.memory_space<hbm>>
      tpu.enqueue_dma source(%arg8 : memref<65536xf32, #tpu.memory_space<vmem>>) target(%dma_start3A_65 : memref<65536xf32, #tpu.memory_space<hbm>>) target_semaphore(%run_scoped3A : memref<!tpu.dma_semaphore, #tpu.memory_space<semaphore_mem>>)
      %dma_wait3A = tpu.memref_slice %arg4[%mul3A_61] : memref<2097152xf32, #tpu.memory_space<hbm>> -> memref<65536xf32, #tpu.memory_space<hbm>>
      %dma_wait3A_66 = tpu.memref_slice %arg4[%mul3A_61] : memref<2097152xf32, #tpu.memory_space<hbm>> -> memref<65536xf32, #tpu.memory_space<hbm>>
      tpu.wait_dma2 semaphore(%run_scoped3A : memref<!tpu.dma_semaphore, #tpu.memory_space<semaphore_mem>>) src(%arg8 : memref<65536xf32, #tpu.memory_space<vmem>>) dst(%dma_wait3A_66 : memref<65536xf32, #tpu.memory_space<hbm>>)
      tpu.yield
    }) : () -> ()
    %mul3A_62 = arith.constant 1024 : i32
    %mul3A_63 = arith.muli %arg0, %mul3A_62 : i32
    %add3A_64 = arith.addi %mul3A_63, %mul3A_0 : i32
    "tpu.region"() ({
      %run_scoped3A = tpu.sem_alloc : memref<!tpu.dma_semaphore, #tpu.memory_space<semaphore_mem>>
      %dma_start3A = tpu.memref_slice %arg5[%add3A_64] : memref<2048xf32, #tpu.memory_space<hbm>> -> memref<64xf32, #tpu.memory_space<hbm>>
      %dma_start3A_65 = tpu.memref_slice %arg5[%add3A_64] : memref<2048xf32, #tpu.memory_space<hbm>> -> memref<64xf32, #tpu.memory_space<hbm>>
      tpu.enqueue_dma source(%arg9 : memref<64xf32, #tpu.memory_space<vmem>>) target(%dma_start3A_65 : memref<64xf32, #tpu.memory_space<hbm>>) target_semaphore(%run_scoped3A : memref<!tpu.dma_semaphore, #tpu.memory_space<semaphore_mem>>)
      %dma_wait3A = tpu.memref_slice %arg5[%add3A_64] : memref<2048xf32, #tpu.memory_space<hbm>> -> memref<64xf32, #tpu.memory_space<hbm>>
      %dma_wait3A_66 = tpu.memref_slice %arg5[%add3A_64] : memref<2048xf32, #tpu.memory_space<hbm>> -> memref<64xf32, #tpu.memory_space<hbm>>
      tpu.wait_dma2 semaphore(%run_scoped3A : memref<!tpu.dma_semaphore, #tpu.memory_space<semaphore_mem>>) src(%arg9 : memref<64xf32, #tpu.memory_space<vmem>>) dst(%dma_wait3A_66 : memref<64xf32, #tpu.memory_space<hbm>>)
      tpu.yield
    }) : () -> ()
    return
  }
}

module attributes {stable_mosaic.version = 14 : i64} {
  func.func @_pre_body(%arg0: i32, %arg1: memref<256x496xf32, #tpu.memory_space<vmem>>, %arg2: memref<496x496xf32, #tpu.memory_space<vmem>>, %arg3: memref<496x1024xf32, #tpu.memory_space<vmem>>, %arg4: memref<256x496xf32, #tpu.memory_space<vmem>>, %arg5: memref<256x1024xf32, #tpu.memory_space<vmem>>) attributes {dimension_semantics = [#tpu.dimension_semantics<arbitrary>], iteration_bounds = array<i64: 4>, scalar_prefetch = 0 : i64, scratch_operands = 0 : i64, tpu.core_type = #tpu.core_type<tc>, window_params = [{transform_indices = @transform_0, window_bounds = array<i64: 256, 496>}, {pipeline_mode = #tpu.pipeline_mode<synchronous>, transform_indices = @transform_1, window_bounds = array<i64: 496, 496>}, {pipeline_mode = #tpu.pipeline_mode<synchronous>, transform_indices = @transform_2, window_bounds = array<i64: 496, 1024>}, {transform_indices = @transform_3, window_bounds = array<i64: 256, 496>}, {transform_indices = @transform_4, window_bounds = array<i64: 256, 1024>}]} {
    %get3A = arith.constant 0 : index
    %get3A_0 = arith.constant 0 : index
    %get3A_1 = vector.load %arg1[%get3A, %get3A_0] : memref<256x496xf32, #tpu.memory_space<vmem>>, vector<256x496xf32>
    %get3A_2 = arith.constant 0 : index
    %get3A_3 = arith.constant 0 : index
    %get3A_4 = vector.load %arg2[%get3A_2, %get3A_3] : memref<496x496xf32, #tpu.memory_space<vmem>>, vector<496x496xf32>
    %dot_general3A = arith.constant dense<0.000000e+00> : vector<256x496xf32>
    %dot_general3A_5 = tpu.matmul %get3A_1, %get3A_4, %dot_general3A {dimension_numbers = #tpu.dot_dimension_numbers<[1], [0], [0], [1], [0, 0, 1, 1], [], []>, transpose_lhs_hint = false} : vector<256x496xf32>, vector<496x496xf32>, vector<256x496xf32> -> vector<256x496xf32>
    %swap3A = arith.constant 0 : index
    %swap3A_6 = arith.constant 0 : index
    %swap3A_7 = vector.load %arg4[%swap3A, %swap3A_6] : memref<256x496xf32, #tpu.memory_space<vmem>>, vector<256x496xf32>
    tpu.vector_store %arg4[%swap3A, %swap3A_6], %dot_general3A_5 {strides = array<i32>} : memref<256x496xf32, #tpu.memory_space<vmem>>, vector<256x496xf32>,
    %get3A_8 = arith.constant 0 : index
    %get3A_9 = arith.constant 0 : index
    %get3A_10 = vector.load %arg3[%get3A_8, %get3A_9] : memref<496x1024xf32, #tpu.memory_space<vmem>>, vector<496x1024xf32>
    %dot_general3A_11 = arith.constant dense<0.000000e+00> : vector<256x1024xf32>
    %dot_general3A_12 = tpu.matmul %get3A_1, %get3A_10, %dot_general3A_11 {dimension_numbers = #tpu.dot_dimension_numbers<[1], [0], [0], [1], [0, 0, 1, 1], [], []>, transpose_lhs_hint = false} : vector<256x496xf32>, vector<496x1024xf32>, vector<256x1024xf32> -> vector<256x1024xf32>
    %swap3A_13 = arith.constant 0 : index
    %swap3A_14 = arith.constant 0 : index
    %swap3A_15 = vector.load %arg5[%swap3A_13, %swap3A_14] : memref<256x1024xf32, #tpu.memory_space<vmem>>, vector<256x1024xf32>
    tpu.vector_store %arg5[%swap3A_13, %swap3A_14], %dot_general3A_12 {strides = array<i32>} : memref<256x1024xf32, #tpu.memory_space<vmem>>, vector<256x1024xf32>,
    return
  }
  func.func @transform_0(%arg0: i32) -> (i32, i32) {
    %c0_i32 = arith.constant 0 : i32
    %c0_i32_0 = arith.constant 0 : i32
    return %arg0, %c0_i32 : i32, i32
  }
  func.func @transform_1(%arg0: i32) -> (i32, i32) {
    %c0_i32 = arith.constant 0 : i32
    %c0_i32_0 = arith.constant 0 : i32
    %c0_i32_1 = arith.constant 0 : i32
    return %c0_i32, %c0_i32_0 : i32, i32
  }
  func.func @transform_2(%arg0: i32) -> (i32, i32) {
    %c0_i32 = arith.constant 0 : i32
    %c0_i32_0 = arith.constant 0 : i32
    %c0_i32_1 = arith.constant 0 : i32
    return %c0_i32, %c0_i32_0 : i32, i32
  }
  func.func @transform_3(%arg0: i32) -> (i32, i32) {
    %c0_i32 = arith.constant 0 : i32
    %c0_i32_0 = arith.constant 0 : i32
    return %arg0, %c0_i32 : i32, i32
  }
  func.func @transform_4(%arg0: i32) -> (i32, i32) {
    %c0_i32 = arith.constant 0 : i32
    %c0_i32_0 = arith.constant 0 : i32
    return %arg0, %c0_i32 : i32, i32
  }
}

module attributes {stable_mosaic.version = 14 : i64} {
  func.func @_dense_body(%arg0: i32, %arg1: memref<1024x1xf32, #tpu.memory_space<vmem>>, %arg2: memref<1024x496xf32, #tpu.memory_space<vmem>>, %arg3: memref<1x496xf32, #tpu.memory_space<vmem>>, %arg4: memref<128x1024xf32, #tpu.memory_space<vmem>>, %arg5: memref<128x1024xf32, #tpu.memory_space<vmem>>, %arg6: memref<128x1xf32, #tpu.memory_space<vmem>>, %arg7: memref<496x1024xf32, #tpu.memory_space<vmem>>, %arg8: memref<128x496xf32, #tpu.memory_space<vmem>>, %arg9: memref<128x1024xf32, #tpu.memory_space<vmem>>, %arg10: memref<1024x496xf32, #tpu.memory_space<vmem>>) attributes {dimension_semantics = [#tpu.dimension_semantics<arbitrary>], iteration_bounds = array<i64: 8>, scalar_prefetch = 0 : i64, scratch_operands = 1 : i64, tpu.core_type = #tpu.core_type<tc>, window_params = [{pipeline_mode = #tpu.pipeline_mode<synchronous>, transform_indices = @transform_0, window_bounds = array<i64: 1024, 1>}, {pipeline_mode = #tpu.pipeline_mode<synchronous>, transform_indices = @transform_1, window_bounds = array<i64: 1024, 496>}, {pipeline_mode = #tpu.pipeline_mode<synchronous>, transform_indices = @transform_2, window_bounds = array<i64: 1, 496>}, {transform_indices = @transform_3, window_bounds = array<i64: 128, 1024>}, {transform_indices = @transform_4, window_bounds = array<i64: 128, 1024>}, {transform_indices = @transform_5, window_bounds = array<i64: 128, 1>}, {pipeline_mode = #tpu.pipeline_mode<synchronous>, transform_indices = @transform_6, window_bounds = array<i64: 496, 1024>}, {transform_indices = @transform_7, window_bounds = array<i64: 128, 496>}, {transform_indices = @transform_8, window_bounds = array<i64: 128, 1024>}]} {
    %eq3A = arith.constant 0 : i32
    %eq3A_0 = arith.cmpi eq, %arg0, %eq3A : i32
    %convert_element_type3A = arith.extui %eq3A_0 : i1 to i32
    %cond3A = arith.constant 0 : i32
    %cond3A_1 = arith.cmpi ne, %convert_element_type3A, %cond3A : i32
    scf.if %cond3A_1 {
      %get3A_44 = arith.constant 0 : index
      %get3A_45 = arith.constant 0 : index
      %get3A_46 = vector.load %arg1[%get3A_44, %get3A_45] : memref<1024x1xf32, #tpu.memory_space<vmem>>, vector<1024x1xf32>
      %add3A_47 = arith.constant 1.000000e+00 : f32
      %add3A_48 = vector.broadcast %add3A_47 : f32 to vector<1024x1xf32>
      %add3A_49 = arith.addf %get3A_46, %add3A_48 : vector<1024x1xf32>
      %rsqrt3A_50 = math.rsqrt %add3A_49 : vector<1024x1xf32>
      %get3A_51 = arith.constant 0 : index
      %get3A_52 = arith.constant 0 : index
      %get3A_53 = vector.load %arg2[%get3A_51, %get3A_52] : memref<1024x496xf32, #tpu.memory_space<vmem>>, vector<1024x496xf32>
      %mul3A_54 = vector.broadcast %rsqrt3A_50 : vector<1024x1xf32> to vector<1024x496xf32>
      %mul3A_55 = arith.mulf %get3A_53, %mul3A_54 : vector<1024x496xf32>
      %swap3A_56 = arith.constant 0 : index
      %swap3A_57 = arith.constant 0 : index
      %swap3A_58 = vector.load %arg10[%swap3A_56, %swap3A_57] : memref<1024x496xf32, #tpu.memory_space<vmem>>, vector<1024x496xf32>
      tpu.vector_store %arg10[%swap3A_56, %swap3A_57], %mul3A_55 {strides = array<i32>} : memref<1024x496xf32, #tpu.memory_space<vmem>>, vector<1024x496xf32>,
    } else {
    }
    %get3A = arith.constant 0 : index
    %get3A_2 = arith.constant 0 : index
    %get3A_3 = vector.load %arg4[%get3A, %get3A_2] : memref<128x1024xf32, #tpu.memory_space<vmem>>, vector<128x1024xf32>
    %get3A_4 = arith.constant 0 : index
    %get3A_5 = arith.constant 0 : index
    %get3A_6 = vector.load %arg5[%get3A_4, %get3A_5] : memref<128x1024xf32, #tpu.memory_space<vmem>>, vector<128x1024xf32>
    %add3A = arith.addf %get3A_3, %get3A_6 : vector<128x1024xf32>
    %get3A_7 = arith.constant 0 : index
    %get3A_8 = arith.constant 0 : index
    %get3A_9 = vector.load %arg6[%get3A_7, %get3A_8] : memref<128x1xf32, #tpu.memory_space<vmem>>, vector<128x1xf32>
    %add3A_10 = arith.constant 1.000000e+00 : f32
    %add3A_11 = vector.broadcast %add3A_10 : f32 to vector<128x1xf32>
    %add3A_12 = arith.addf %get3A_9, %add3A_11 : vector<128x1xf32>
    %rsqrt3A = math.rsqrt %add3A_12 : vector<128x1xf32>
    %get3A_13 = arith.constant 0 : index
    %get3A_14 = arith.constant 0 : index
    %get3A_15 = vector.load %arg10[%get3A_13, %get3A_14] : memref<1024x496xf32, #tpu.memory_space<vmem>>, vector<1024x496xf32>
    %dot_general3A = arith.constant dense<0.000000e+00> : vector<128x496xf32>
    %dot_general3A_16 = tpu.matmul %add3A, %get3A_15, %dot_general3A {dimension_numbers = #tpu.dot_dimension_numbers<[1], [0], [0], [1], [0, 0, 1, 1], [], []>, transpose_lhs_hint = false} : vector<128x1024xf32>, vector<1024x496xf32>, vector<128x496xf32> -> vector<128x496xf32>
    %mul3A = arith.constant 128 : i32
    %mul3A_17 = arith.muli %arg0, %mul3A : i32
    %get3A_18 = arith.index_cast %mul3A_17 : i32 to index
    %get3A_19 = arith.constant 0 : index
    %get3A_20 = vector.load %arg10[%get3A_18, %get3A_19] : memref<1024x496xf32, #tpu.memory_space<vmem>>, vector<128x496xf32>
    %add3A_21 = arith.addf %dot_general3A_16, %get3A_20 : vector<128x496xf32>
    %mul3A_22 = vector.broadcast %rsqrt3A : vector<128x1xf32> to vector<128x496xf32>
    %mul3A_23 = arith.mulf %add3A_21, %mul3A_22 : vector<128x496xf32>
    %get3A_24 = arith.constant 0 : index
    %get3A_25 = arith.constant 0 : index
    %get3A_26 = vector.load %arg3[%get3A_24, %get3A_25] : memref<1x496xf32, #tpu.memory_space<vmem>>, vector<1x496xf32>
    %add3A_27 = vector.broadcast %get3A_26 : vector<1x496xf32> to vector<128x496xf32>
    %add3A_28 = arith.addf %mul3A_23, %add3A_27 : vector<128x496xf32>
    %logistic3A = arith.negf %add3A_28 : vector<128x496xf32>
    %logistic3A_29 = math.exp %logistic3A : vector<128x496xf32>
    %logistic3A_30 = arith.constant 1.000000e+00 : f32
    %logistic3A_31 = vector.broadcast %logistic3A_30 : f32 to vector<128x496xf32>
    %logistic3A_32 = arith.addf %logistic3A_31, %logistic3A_29 : vector<128x496xf32>
    %logistic3A_33 = arith.divf %logistic3A_31, %logistic3A_32 : vector<128x496xf32>
    %swap3A = arith.constant 0 : index
    %swap3A_34 = arith.constant 0 : index
    %swap3A_35 = vector.load %arg8[%swap3A, %swap3A_34] : memref<128x496xf32, #tpu.memory_space<vmem>>, vector<128x496xf32>
    tpu.vector_store %arg8[%swap3A, %swap3A_34], %logistic3A_33 {strides = array<i32>} : memref<128x496xf32, #tpu.memory_space<vmem>>, vector<128x496xf32>,
    %get3A_36 = arith.constant 0 : index
    %get3A_37 = arith.constant 0 : index
    %get3A_38 = vector.load %arg7[%get3A_36, %get3A_37] : memref<496x1024xf32, #tpu.memory_space<vmem>>, vector<496x1024xf32>
    %dot_general3A_39 = arith.constant dense<0.000000e+00> : vector<128x1024xf32>
    %dot_general3A_40 = tpu.matmul %logistic3A_33, %get3A_38, %dot_general3A_39 {dimension_numbers = #tpu.dot_dimension_numbers<[1], [0], [0], [1], [0, 0, 1, 1], [], []>, transpose_lhs_hint = false} : vector<128x496xf32>, vector<496x1024xf32>, vector<128x1024xf32> -> vector<128x1024xf32>
    %swap3A_41 = arith.constant 0 : index
    %swap3A_42 = arith.constant 0 : index
    %swap3A_43 = vector.load %arg9[%swap3A_41, %swap3A_42] : memref<128x1024xf32, #tpu.memory_space<vmem>>, vector<128x1024xf32>
    tpu.vector_store %arg9[%swap3A_41, %swap3A_42], %dot_general3A_40 {strides = array<i32>} : memref<128x1024xf32, #tpu.memory_space<vmem>>, vector<128x1024xf32>,
    return
  }
  func.func @transform_0(%arg0: i32) -> (i32, i32) {
    %c0_i32 = arith.constant 0 : i32
    %c0_i32_0 = arith.constant 0 : i32
    %c0_i32_1 = arith.constant 0 : i32
    return %c0_i32, %c0_i32_0 : i32, i32
  }
  func.func @transform_1(%arg0: i32) -> (i32, i32) {
    %c0_i32 = arith.constant 0 : i32
    %c0_i32_0 = arith.constant 0 : i32
    %c0_i32_1 = arith.constant 0 : i32
    return %c0_i32, %c0_i32_0 : i32, i32
  }
  func.func @transform_2(%arg0: i32) -> (i32, i32) {
    %c0_i32 = arith.constant 0 : i32
    %c0_i32_0 = arith.constant 0 : i32
    %c0_i32_1 = arith.constant 0 : i32
    return %c0_i32, %c0_i32_0 : i32, i32
  }
  func.func @transform_3(%arg0: i32) -> (i32, i32) {
    %c0_i32 = arith.constant 0 : i32
    %c0_i32_0 = arith.constant 0 : i32
    return %arg0, %c0_i32 : i32, i32
  }
  func.func @transform_4(%arg0: i32) -> (i32, i32) {
    %add3A = arith.constant 8 : i32
    %add3A_0 = arith.addi %arg0, %add3A : i32
    %c0_i32 = arith.constant 0 : i32
    %c0_i32_1 = arith.constant 0 : i32
    return %add3A_0, %c0_i32 : i32, i32
  }
  func.func @transform_5(%arg0: i32) -> (i32, i32) {
    %c0_i32 = arith.constant 0 : i32
    %c0_i32_0 = arith.constant 0 : i32
    return %arg0, %c0_i32 : i32, i32
  }
  func.func @transform_6(%arg0: i32) -> (i32, i32) {
    %c0_i32 = arith.constant 0 : i32
    %c0_i32_0 = arith.constant 0 : i32
    %c0_i32_1 = arith.constant 0 : i32
    return %c0_i32, %c0_i32_0 : i32, i32
  }
  func.func @transform_7(%arg0: i32) -> (i32, i32) {
    %c0_i32 = arith.constant 0 : i32
    %c0_i32_0 = arith.constant 0 : i32
    return %arg0, %c0_i32 : i32, i32
  }
  func.func @transform_8(%arg0: i32) -> (i32, i32) {
    %c0_i32 = arith.constant 0 : i32
    %c0_i32_0 = arith.constant 0 : i32
    return %arg0, %c0_i32 : i32, i32
  }
}

module attributes {stable_mosaic.version = 14 : i64} {
  func.func @_gemv_body(%arg0: i32, %arg1: memref<1x1x7936xf32, #tpu.memory_space<vmem>>, %arg2: memref<1x1x7936xf32, #tpu.memory_space<vmem>>, %arg3: memref<1x1x7936xf32, #tpu.memory_space<vmem>>, %arg4: memref<1x1x7936xf32, #tpu.memory_space<vmem>>, %arg5: memref<64x7936xf32, #tpu.memory_space<vmem>>, %arg6: memref<64x7936xf32, #tpu.memory_space<vmem>>, %arg7: memref<64x7936xf32, #tpu.memory_space<vmem>>, %arg8: memref<64x7936xf32, #tpu.memory_space<vmem>>, %arg9: memref<64x1xf32, #tpu.memory_space<vmem>>, %arg10: memref<64x496xf32, #tpu.memory_space<vmem>>, %arg11: memref<1x496xf32, #tpu.memory_space<vmem>>, %arg12: memref<496x1024xf32, #tpu.memory_space<vmem>>, %arg13: memref<64x1xf32, #tpu.memory_space<vmem>>, %arg14: memref<1x1024xf32, #tpu.memory_space<vmem>>) attributes {dimension_semantics = [#tpu.dimension_semantics<arbitrary>], iteration_bounds = array<i64: 16>, scalar_prefetch = 0 : i64, scratch_operands = 0 : i64, tpu.core_type = #tpu.core_type<tc>, window_params = [{transform_indices = @transform_0, window_bounds = array<i64: 1, 1, 7936>}, {transform_indices = @transform_1, window_bounds = array<i64: 1, 1, 7936>}, {transform_indices = @transform_2, window_bounds = array<i64: 1, 1, 7936>}, {transform_indices = @transform_3, window_bounds = array<i64: 1, 1, 7936>}, {transform_indices = @transform_4, window_bounds = array<i64: 64, 7936>}, {transform_indices = @transform_5, window_bounds = array<i64: 64, 7936>}, {transform_indices = @transform_6, window_bounds = array<i64: 64, 7936>}, {transform_indices = @transform_7, window_bounds = array<i64: 64, 7936>}, {pipeline_mode = #tpu.pipeline_mode<synchronous>, transform_indices = @transform_8, window_bounds = array<i64: 64, 1>}, {pipeline_mode = #tpu.pipeline_mode<synchronous>, transform_indices = @transform_9, window_bounds = array<i64: 64, 496>}, {pipeline_mode = #tpu.pipeline_mode<synchronous>, transform_indices = @transform_10, window_bounds = array<i64: 1, 496>}, {pipeline_mode = #tpu.pipeline_mode<synchronous>, transform_indices = @transform_11, window_bounds = array<i64: 496, 1024>}, {pipeline_mode = #tpu.pipeline_mode<synchronous>, transform_indices = @transform_12, window_bounds = array<i64: 64, 1>}, {pipeline_mode = #tpu.pipeline_mode<synchronous>, transform_indices = @transform_13, window_bounds = array<i64: 1, 1024>}]} {
    %eq3A = arith.constant 0 : i32
    %eq3A_0 = arith.cmpi eq, %arg0, %eq3A : i32
    %convert_element_type3A = arith.extui %eq3A_0 : i1 to i32
    %cond3A = arith.constant 0 : i32
    %cond3A_1 = arith.cmpi ne, %convert_element_type3A, %cond3A : i32
    scf.if %cond3A_1 {
      %broadcast_in_dim3A = arith.constant 0.000000e+00 : f32
      %broadcast_in_dim3A_53 = vector.broadcast %broadcast_in_dim3A : f32 to vector<64x1xf32>
      %swap3A_54 = arith.constant 0 : index
      %swap3A_55 = arith.constant 0 : index
      %swap3A_56 = vector.load %arg13[%swap3A_54, %swap3A_55] : memref<64x1xf32, #tpu.memory_space<vmem>>, vector<64x1xf32>
      tpu.vector_store %arg13[%swap3A_54, %swap3A_55], %broadcast_in_dim3A_53 {strides = array<i32>} : memref<64x1xf32, #tpu.memory_space<vmem>>, vector<64x1xf32>,
    } else {
    }
    %get3A = arith.constant 0 : index
    %get3A_2 = arith.constant 0 : index
    %get3A_3 = vector.load %arg13[%get3A, %get3A_2] : memref<64x1xf32, #tpu.memory_space<vmem>>, vector<64x1xf32>
    %get3A_4 = arith.constant 0 : index
    %get3A_5 = arith.constant 0 : index
    %get3A_6 = vector.load %arg5[%get3A_4, %get3A_5] : memref<64x7936xf32, #tpu.memory_space<vmem>>, vector<64x7936xf32>
    %get3A_7 = arith.constant 0 : index
    %get3A_8 = arith.constant 0 : index
    %get3A_9 = arith.constant 0 : index
    %get3A_10 = vector.load %arg1[%get3A_7, %get3A_8, %get3A_9] : memref<1x1x7936xf32, #tpu.memory_space<vmem>>, vector<1x1x7936xf32>
    %get3A_11 = vector.shape_cast %get3A_10 : vector<1x1x7936xf32> to vector<1x7936xf32>
    %dot_general3A = arith.constant dense<0.000000e+00> : vector<64x1xf32>
    %dot_general3A_12 = tpu.matmul %get3A_6, %get3A_11, %dot_general3A {dimension_numbers = #tpu.dot_dimension_numbers<[1], [1], [0], [0], [0, 0, 1, 0], [], []>, transpose_lhs_hint = false} : vector<64x7936xf32>, vector<1x7936xf32>, vector<64x1xf32> -> vector<64x1xf32>
    %add3A = arith.addf %get3A_3, %dot_general3A_12 : vector<64x1xf32>
    %get3A_13 = arith.constant 0 : index
    %get3A_14 = arith.constant 0 : index
    %get3A_15 = vector.load %arg6[%get3A_13, %get3A_14] : memref<64x7936xf32, #tpu.memory_space<vmem>>, vector<64x7936xf32>
    %get3A_16 = arith.constant 0 : index
    %get3A_17 = arith.constant 0 : index
    %get3A_18 = arith.constant 0 : index
    %get3A_19 = vector.load %arg2[%get3A_16, %get3A_17, %get3A_18] : memref<1x1x7936xf32, #tpu.memory_space<vmem>>, vector<1x1x7936xf32>
    %get3A_20 = vector.shape_cast %get3A_19 : vector<1x1x7936xf32> to vector<1x7936xf32>
    %dot_general3A_21 = arith.constant dense<0.000000e+00> : vector<64x1xf32>
    %dot_general3A_22 = tpu.matmul %get3A_15, %get3A_20, %dot_general3A_21 {dimension_numbers = #tpu.dot_dimension_numbers<[1], [1], [0], [0], [0, 0, 1, 0], [], []>, transpose_lhs_hint = false} : vector<64x7936xf32>, vector<1x7936xf32>, vector<64x1xf32> -> vector<64x1xf32>
    %add3A_23 = arith.addf %add3A, %dot_general3A_22 : vector<64x1xf32>
    %get3A_24 = arith.constant 0 : index
    %get3A_25 = arith.constant 0 : index
    %get3A_26 = vector.load %arg7[%get3A_24, %get3A_25] : memref<64x7936xf32, #tpu.memory_space<vmem>>, vector<64x7936xf32>
    %get3A_27 = arith.constant 0 : index
    %get3A_28 = arith.constant 0 : index
    %get3A_29 = arith.constant 0 : index
    %get3A_30 = vector.load %arg3[%get3A_27, %get3A_28, %get3A_29] : memref<1x1x7936xf32, #tpu.memory_space<vmem>>, vector<1x1x7936xf32>
    %get3A_31 = vector.shape_cast %get3A_30 : vector<1x1x7936xf32> to vector<1x7936xf32>
    %dot_general3A_32 = arith.constant dense<0.000000e+00> : vector<64x1xf32>
    %dot_general3A_33 = tpu.matmul %get3A_26, %get3A_31, %dot_general3A_32 {dimension_numbers = #tpu.dot_dimension_numbers<[1], [1], [0], [0], [0, 0, 1, 0], [], []>, transpose_lhs_hint = false} : vector<64x7936xf32>, vector<1x7936xf32>, vector<64x1xf32> -> vector<64x1xf32>
    %add3A_34 = arith.addf %add3A_23, %dot_general3A_33 : vector<64x1xf32>
    %get3A_35 = arith.constant 0 : index
    %get3A_36 = arith.constant 0 : index
    %get3A_37 = vector.load %arg8[%get3A_35, %get3A_36] : memref<64x7936xf32, #tpu.memory_space<vmem>>, vector<64x7936xf32>
    %get3A_38 = arith.constant 0 : index
    %get3A_39 = arith.constant 0 : index
    %get3A_40 = arith.constant 0 : index
    %get3A_41 = vector.load %arg4[%get3A_38, %get3A_39, %get3A_40] : memref<1x1x7936xf32, #tpu.memory_space<vmem>>, vector<1x1x7936xf32>
    %get3A_42 = vector.shape_cast %get3A_41 : vector<1x1x7936xf32> to vector<1x7936xf32>
    %dot_general3A_43 = arith.constant dense<0.000000e+00> : vector<64x1xf32>
    %dot_general3A_44 = tpu.matmul %get3A_37, %get3A_42, %dot_general3A_43 {dimension_numbers = #tpu.dot_dimension_numbers<[1], [1], [0], [0], [0, 0, 1, 0], [], []>, transpose_lhs_hint = false} : vector<64x7936xf32>, vector<1x7936xf32>, vector<64x1xf32> -> vector<64x1xf32>
    %add3A_45 = arith.addf %add3A_34, %dot_general3A_44 : vector<64x1xf32>
    %swap3A = arith.constant 0 : index
    %swap3A_46 = arith.constant 0 : index
    %swap3A_47 = vector.load %arg13[%swap3A, %swap3A_46] : memref<64x1xf32, #tpu.memory_space<vmem>>, vector<64x1xf32>
    tpu.vector_store %arg13[%swap3A, %swap3A_46], %add3A_45 {strides = array<i32>} : memref<64x1xf32, #tpu.memory_space<vmem>>, vector<64x1xf32>,
    %eq3A_48 = arith.constant 15 : i32
    %eq3A_49 = arith.cmpi eq, %arg0, %eq3A_48 : i32
    %convert_element_type3A_50 = arith.extui %eq3A_49 : i1 to i32
    %cond3A_51 = arith.constant 0 : i32
    %cond3A_52 = arith.cmpi ne, %convert_element_type3A_50, %cond3A_51 : i32
    scf.if %cond3A_52 {
      %get3A_53 = arith.constant 0 : index
      %get3A_54 = arith.constant 0 : index
      %get3A_55 = vector.load %arg13[%get3A_53, %get3A_54] : memref<64x1xf32, #tpu.memory_space<vmem>>, vector<64x1xf32>
      %get3A_56 = arith.constant 0 : index
      %get3A_57 = arith.constant 0 : index
      %get3A_58 = vector.load %arg9[%get3A_56, %get3A_57] : memref<64x1xf32, #tpu.memory_space<vmem>>, vector<64x1xf32>
      %add3A_59 = arith.addf %get3A_55, %get3A_58 : vector<64x1xf32>
      %logistic3A = arith.negf %add3A_59 : vector<64x1xf32>
      %logistic3A_60 = math.exp %logistic3A : vector<64x1xf32>
      %logistic3A_61 = arith.constant 1.000000e+00 : f32
      %logistic3A_62 = vector.broadcast %logistic3A_61 : f32 to vector<64x1xf32>
      %logistic3A_63 = arith.addf %logistic3A_62, %logistic3A_60 : vector<64x1xf32>
      %logistic3A_64 = arith.divf %logistic3A_62, %logistic3A_63 : vector<64x1xf32>
      %swap3A_65 = arith.constant 0 : index
      %swap3A_66 = arith.constant 0 : index
      %swap3A_67 = vector.load %arg13[%swap3A_65, %swap3A_66] : memref<64x1xf32, #tpu.memory_space<vmem>>, vector<64x1xf32>
      tpu.vector_store %arg13[%swap3A_65, %swap3A_66], %logistic3A_64 {strides = array<i32>} : memref<64x1xf32, #tpu.memory_space<vmem>>, vector<64x1xf32>,
      %get3A_68 = arith.constant 0 : index
      %get3A_69 = arith.constant 0 : index
      %get3A_70 = vector.load %arg10[%get3A_68, %get3A_69] : memref<64x496xf32, #tpu.memory_space<vmem>>, vector<64x496xf32>
      %dot_general3A_71 = arith.constant dense<0.000000e+00> : vector<1x496xf32>
      %dot_general3A_72 = tpu.matmul %logistic3A_64, %get3A_70, %dot_general3A_71 {dimension_numbers = #tpu.dot_dimension_numbers<[0], [0], [1], [1], [0, 1, 1, 1], [], []>, transpose_lhs_hint = false} : vector<64x1xf32>, vector<64x496xf32>, vector<1x496xf32> -> vector<1x496xf32>
      %get3A_73 = arith.constant 0 : index
      %get3A_74 = arith.constant 0 : index
      %get3A_75 = vector.load %arg11[%get3A_73, %get3A_74] : memref<1x496xf32, #tpu.memory_space<vmem>>, vector<1x496xf32>
      %add3A_76 = arith.addf %dot_general3A_72, %get3A_75 : vector<1x496xf32>
      %logistic3A_77 = arith.negf %add3A_76 : vector<1x496xf32>
      %logistic3A_78 = math.exp %logistic3A_77 : vector<1x496xf32>
      %logistic3A_79 = arith.constant 1.000000e+00 : f32
      %logistic3A_80 = vector.broadcast %logistic3A_79 : f32 to vector<1x496xf32>
      %logistic3A_81 = arith.addf %logistic3A_80, %logistic3A_78 : vector<1x496xf32>
      %logistic3A_82 = arith.divf %logistic3A_80, %logistic3A_81 : vector<1x496xf32>
      %get3A_83 = arith.constant 0 : index
      %get3A_84 = arith.constant 0 : index
      %get3A_85 = vector.load %arg12[%get3A_83, %get3A_84] : memref<496x1024xf32, #tpu.memory_space<vmem>>, vector<496x1024xf32>
      %dot_general3A_86 = arith.constant dense<0.000000e+00> : vector<1x1024xf32>
      %dot_general3A_87 = tpu.matmul %logistic3A_82, %get3A_85, %dot_general3A_86 {dimension_numbers = #tpu.dot_dimension_numbers<[1], [0], [0], [1], [0, 0, 1, 1], [], []>, transpose_lhs_hint = false} : vector<1x496xf32>, vector<496x1024xf32>, vector<1x1024xf32> -> vector<1x1024xf32>
      %swap3A_88 = arith.constant 0 : index
      %swap3A_89 = arith.constant 0 : index
      %swap3A_90 = vector.load %arg14[%swap3A_88, %swap3A_89] : memref<1x1024xf32, #tpu.memory_space<vmem>>, vector<1x1024xf32>
      tpu.vector_store %arg14[%swap3A_88, %swap3A_89], %dot_general3A_87 {strides = array<i32>} : memref<1x1024xf32, #tpu.memory_space<vmem>>, vector<1x1024xf32>,
    } else {
    }
    return
  }
  func.func @transform_0(%arg0: i32) -> (i32, i32, i32) {
    %mul3A = arith.constant 4 : i32
    %mul3A_0 = arith.muli %mul3A, %arg0 : i32
    %add3A = arith.constant 0 : i32
    %add3A_1 = arith.addi %mul3A_0, %add3A : i32
    %c0_i32 = arith.constant 0 : i32
    %c0_i32_2 = arith.constant 0 : i32
    %c0_i32_3 = arith.constant 0 : i32
    return %add3A_1, %c0_i32, %c0_i32_2 : i32, i32, i32
  }
  func.func @transform_1(%arg0: i32) -> (i32, i32, i32) {
    %mul3A = arith.constant 4 : i32
    %mul3A_0 = arith.muli %mul3A, %arg0 : i32
    %add3A = arith.constant 1 : i32
    %add3A_1 = arith.addi %mul3A_0, %add3A : i32
    %c0_i32 = arith.constant 0 : i32
    %c0_i32_2 = arith.constant 0 : i32
    %c0_i32_3 = arith.constant 0 : i32
    return %add3A_1, %c0_i32, %c0_i32_2 : i32, i32, i32
  }
  func.func @transform_2(%arg0: i32) -> (i32, i32, i32) {
    %mul3A = arith.constant 4 : i32
    %mul3A_0 = arith.muli %mul3A, %arg0 : i32
    %add3A = arith.constant 2 : i32
    %add3A_1 = arith.addi %mul3A_0, %add3A : i32
    %c0_i32 = arith.constant 0 : i32
    %c0_i32_2 = arith.constant 0 : i32
    %c0_i32_3 = arith.constant 0 : i32
    return %add3A_1, %c0_i32, %c0_i32_2 : i32, i32, i32
  }
  func.func @transform_3(%arg0: i32) -> (i32, i32, i32) {
    %mul3A = arith.constant 4 : i32
    %mul3A_0 = arith.muli %mul3A, %arg0 : i32
    %add3A = arith.constant 3 : i32
    %add3A_1 = arith.addi %mul3A_0, %add3A : i32
    %c0_i32 = arith.constant 0 : i32
    %c0_i32_2 = arith.constant 0 : i32
    %c0_i32_3 = arith.constant 0 : i32
    return %add3A_1, %c0_i32, %c0_i32_2 : i32, i32, i32
  }
  func.func @transform_4(%arg0: i32) -> (i32, i32) {
    %mul3A = arith.constant 4 : i32
    %mul3A_0 = arith.muli %mul3A, %arg0 : i32
    %add3A = arith.constant 0 : i32
    %add3A_1 = arith.addi %mul3A_0, %add3A : i32
    %c0_i32 = arith.constant 0 : i32
    %c0_i32_2 = arith.constant 0 : i32
    return %c0_i32, %add3A_1 : i32, i32
  }
  func.func @transform_5(%arg0: i32) -> (i32, i32) {
    %mul3A = arith.constant 4 : i32
    %mul3A_0 = arith.muli %mul3A, %arg0 : i32
    %add3A = arith.constant 1 : i32
    %add3A_1 = arith.addi %mul3A_0, %add3A : i32
    %c0_i32 = arith.constant 0 : i32
    %c0_i32_2 = arith.constant 0 : i32
    return %c0_i32, %add3A_1 : i32, i32
  }
  func.func @transform_6(%arg0: i32) -> (i32, i32) {
    %mul3A = arith.constant 4 : i32
    %mul3A_0 = arith.muli %mul3A, %arg0 : i32
    %add3A = arith.constant 2 : i32
    %add3A_1 = arith.addi %mul3A_0, %add3A : i32
    %c0_i32 = arith.constant 0 : i32
    %c0_i32_2 = arith.constant 0 : i32
    return %c0_i32, %add3A_1 : i32, i32
  }
  func.func @transform_7(%arg0: i32) -> (i32, i32) {
    %mul3A = arith.constant 4 : i32
    %mul3A_0 = arith.muli %mul3A, %arg0 : i32
    %add3A = arith.constant 3 : i32
    %add3A_1 = arith.addi %mul3A_0, %add3A : i32
    %c0_i32 = arith.constant 0 : i32
    %c0_i32_2 = arith.constant 0 : i32
    return %c0_i32, %add3A_1 : i32, i32
  }
  func.func @transform_8(%arg0: i32) -> (i32, i32) {
    %c0_i32 = arith.constant 0 : i32
    %c0_i32_0 = arith.constant 0 : i32
    %c0_i32_1 = arith.constant 0 : i32
    return %c0_i32, %c0_i32_0 : i32, i32
  }
  func.func @transform_9(%arg0: i32) -> (i32, i32) {
    %c0_i32 = arith.constant 0 : i32
    %c0_i32_0 = arith.constant 0 : i32
    %c0_i32_1 = arith.constant 0 : i32
    return %c0_i32, %c0_i32_0 : i32, i32
  }
  func.func @transform_10(%arg0: i32) -> (i32, i32) {
    %c0_i32 = arith.constant 0 : i32
    %c0_i32_0 = arith.constant 0 : i32
    %c0_i32_1 = arith.constant 0 : i32
    return %c0_i32, %c0_i32_0 : i32, i32
  }
  func.func @transform_11(%arg0: i32) -> (i32, i32) {
    %c0_i32 = arith.constant 0 : i32
    %c0_i32_0 = arith.constant 0 : i32
    %c0_i32_1 = arith.constant 0 : i32
    return %c0_i32, %c0_i32_0 : i32, i32
  }
  func.func @transform_12(%arg0: i32) -> (i32, i32) {
    %c0_i32 = arith.constant 0 : i32
    %c0_i32_0 = arith.constant 0 : i32
    %c0_i32_1 = arith.constant 0 : i32
    return %c0_i32, %c0_i32_0 : i32, i32
  }
  func.func @transform_13(%arg0: i32) -> (i32, i32) {
    %c0_i32 = arith.constant 0 : i32
    %c0_i32_0 = arith.constant 0 : i32
    %c0_i32_1 = arith.constant 0 : i32
    return %c0_i32, %c0_i32_0 : i32, i32
  }
}

</mosaic_0001>

<sc_bundles>
// kernel: kernel.6.cloned.1.call-start
scs
__scs_entry_jumppad:
0x0: {  	(pc) =	sbr.rel $0x88, $3  }
0x1: {  	(tag) =	ssettag $0x0;
	lr =	simm.s32 $0x1  }
0x2: {  	[smem:$0x3F99] =	sst lr;
	_ =	strace $0xD0000000  }
0x3: {  	_ = 	snop  }
0x4: {  	_ = 	snop  }
0x5: {  	_ = 	snop  }
0x6: {  	_ = 	snop  }
0x7: {  	_ = 	snop  }
__scs_overlays_trampoline_lowered:
0x8: {  	[smem:$0x3FA8] =	sst s0  }
0x9: {  	[smem:$0x3FA9] =	sst s1  }
0xa: {  	[smem:$0x3FAA] =	sst s2  }
0xb: {  	[smem:$0x3FAB] =	sst s3  }
0xc: {  	[smem:$0x3FAC] =	sst s4  }
0xd: {  	[smem:$0x3FAD] =	sst s5  }
0xe: {  	[smem:$0x3FAE] =	sst s6  }
0xf: {  	[smem:$0x3FAF] =	sst s7  }
0x10: {  	[smem:$0x3FB0] =	sst s8  }
0x11: {  	[smem:$0x3FB1] =	sst s9;
	s0 =	simm.s32 @!p0 $0x0  }
0x12: {  	s1 =	sld [smem:$0x3F97];
	s0 =	simm.s32 @p0 $0x1  }
0x13: {  	[smem:$0x3FB2] =	sst s0;
	s0 =	simm.s32 @!p1 $0x0  }
0x14: {  	s2 =	sld [smem:$0x3F96];
	s0 =	simm.s32 @p1 $0x1  }
0x15: {  	[smem:$0x3FB3] =	sst s0;
	s0 =	simm.s32 @!p2 $0x0  }
0x16: {  	s3 =	sld [smem:$0x3FDB];
	s0 =	simm.s32 @p2 $0x1  }
0x17: {  	s4 =	simm.s32 $0x1BF5;
	[smem:$0x3FB5] =	sst s0  }
0x18: {  	s0 =	sld [smem:$0x3F98];
	_ =	swait.ge [sflag:s4], $0x0  }
0x19: {  	s7 =	sld [smem:$0x3F99]  }
0x1a: {  	s8 =	sadd.s32 $0xFFFFE003, lr  }
0x1b: {  	s9 =	sadd.s32 $0xFFFFFEF7, lr;
	s5 =	simm.s32 $0xFFFFFFFF;
	p2 =	slt.u32 s8, $0xFFFFF086  }
0x1c: {  	p1 =	slt.u32 s9, $0xF7A;
	s5 =	simm.s32 @!p2 $0x0  }
0x1d: {  	s5 =	simm.s32 @p1 $0x1;
	p0 =	seq.s32 s7, s2  }
0x1e: {  	s7 =	smul.u32 @!p0 $0xF7A, s2;
	p2 =	seq.s32 @!p0 s5, $0x0  }
0x1f: {  	s9 =	smul.u32 $0xF7A, s1;
	s8 =	simm.s32 @!p0 $0x1BF5;
	p2 =	por !p2, p0  }
0x20: {  	[sflag:s8] =	ssyncset.s32 @!p0 $0xFFFFF086;
	s6 =	sadd.s32 @!p0 s3, s7;
	s7 =	simm.s32 @!p0 $0x108  }
0x21: {  	s3 =	sadd.s32 s3, s9;
	s6 =	sadd.s32 @!p0 $0x88, s6;
	s7 =	simm.s32 @p2 $0x1082  }
0x22: {  	[simem:s7], [sflag:s8] =	dma.local @!p0 [hbm:s6], $0xF7A  }
0x23: {  	s9 =	sor.u32 $0xD0000000, s2;
	s6 =	simm.s32 $0x108;
	_ =	swait.ge @!p0 [sflag:s8], $0x0  }
0x24: {  	s3 =	sadd.s32 $0x88, s3;
	s6 =	simm.s32 @!p1 $0x1082;
	[sflag:s4] =	ssyncset.s32 $0xFFFFF086  }
0x25: {  	[simem:s6], [sflag:s4] =	dma.local [hbm:s3], $0xF7A  }
0x26: {  	[smem:$0x3F99] =	sst s1;
	(tag) =	ssettag s2;
	_ =	strace s9  }
0x27: {  	s1 =	sld [smem:$0x3FA9]  }
0x28: {  	s2 =	sld [smem:$0x3FAA]  }
0x29: {  	s4 =	sld [smem:$0x3FAC]  }
0x2a: {  	p0 =	seq.s32 s5, $0x0;
	s5 =	sld [smem:$0x3FAD]  }
0x2b: {  	s6 =	sld [smem:$0x3FAE]  }
0x2c: {  	s7 =	sld [smem:$0x3FAF]  }
0x2d: {  	s3 =	simm.s32 $0x108;
	s8 =	sld [smem:$0x3FB0]  }
0x2e: {  	s3 =	simm.s32 @!p0 $0x1082;
	s9 =	sld [smem:$0x3FB1]  }
0x2f: {  	lr =	sadd.s32 s0, s3;
	s0 =	sld [smem:$0x3FA8]  }
0x30: {  	s3 =	sld [smem:$0x3FAB]  }
0x31: {  	[smem:$0x3FB4] =	sst s10  }
0x32: {  	s10 =	sld [smem:$0x3FB2];
	_ =	sdelay $0x3  }
0x33: {  	p0 =	seq.s32 s10, $0x1;
	s10 =	sld [smem:$0x3FB4];
	_ =	sdelay $0x3  }
0x34: {  	[smem:$0x3FB4] =	sst s10  }
0x35: {  	s10 =	sld [smem:$0x3FB3];
	_ =	sdelay $0x3  }
0x36: {  	p1 =	seq.s32 s10, $0x1;
	s10 =	sld [smem:$0x3FB4];
	_ =	sdelay $0x3  }
0x37: {  	[smem:$0x3FB4] =	sst s10  }
0x38: {  	s10 =	sld [smem:$0x3FB5]  }
0x39: {  	_ = 	snop;
	(pc) =	sbr.ind lr, $3  }
0x3a: {  	_ = 	snop  }
0x3b: {  	_ = 	snop  }
0x3c: {  	p2 =	seq.s32 s10, $0x1;
	s10 =	sld [smem:$0x3FB4]  }
0x3d: {  	_ =	shalt  }
0x3e: {  	_ =	shalt  }
0x3f: {  	_ =	shalt  }
0x40: {  	_ =	shalt  }
0x41: {  	_ =	shalt  }
0x42: {  	_ =	shalt  }
0x43: {  	_ =	shalt  }
0x44: {  	_ =	shalt  }
0x45: {  	_ =	shalt  }
0x46: {  	_ =	shalt  }
0x47: {  	_ =	shalt  }
0x48: {  	_ =	shalt  }
0x49: {  	_ =	shalt  }
0x4a: {  	_ =	shalt  }
0x4b: {  	_ =	shalt  }
0x4c: {  	_ =	shalt  }
0x4d: {  	_ =	shalt  }
0x4e: {  	_ =	shalt  }
0x4f: {  	_ =	shalt  }
0x50: {  	_ =	shalt  }
0x51: {  	_ =	shalt  }
0x52: {  	_ =	shalt  }
0x53: {  	_ =	shalt  }
0x54: {  	_ =	shalt  }
0x55: {  	_ =	shalt  }
0x56: {  	_ =	shalt  }
0x57: {  	_ =	shalt  }
0x58: {  	_ =	shalt  }
0x59: {  	_ =	shalt  }
0x5a: {  	_ =	shalt  }
0x5b: {  	_ =	shalt  }
0x5c: {  	_ =	shalt  }
0x5d: {  	_ =	shalt  }
0x5e: {  	_ =	shalt  }
0x5f: {  	_ =	shalt  }
0x60: {  	_ =	shalt  }
0x61: {  	_ =	shalt  }
0x62: {  	_ =	shalt  }
0x63: {  	_ =	shalt  }
0x64: {  	_ =	shalt  }
0x65: {  	_ =	shalt  }
0x66: {  	_ =	shalt  }
0x67: {  	_ =	shalt  }
0x68: {  	_ =	shalt  }
0x69: {  	_ =	shalt  }
0x6a: {  	_ =	shalt  }
0x6b: {  	_ =	shalt  }
0x6c: {  	_ =	shalt  }
0x6d: {  	_ =	shalt  }
0x6e: {  	_ =	shalt  }
0x6f: {  	_ =	shalt  }
0x70: {  	_ =	shalt  }
0x71: {  	_ =	shalt  }
0x72: {  	_ =	shalt  }
0x73: {  	_ =	shalt  }
0x74: {  	_ =	shalt  }
0x75: {  	_ =	shalt  }
0x76: {  	_ =	shalt  }
0x77: {  	_ =	shalt  }
0x78: {  	_ =	shalt  }
0x79: {  	_ =	shalt  }
0x7a: {  	_ =	shalt  }
0x7b: {  	_ =	shalt  }
0x7c: {  	_ =	shalt  }
0x7d: {  	_ =	shalt  }
0x7e: {  	_ =	shalt  }
0x7f: {  	_ =	shalt  }
0x80: {  	_ =	shalt  }
0x81: {  	_ =	shalt  }
0x82: {  	_ =	shalt  }
0x83: {  	_ =	shalt  }
0x84: {  	_ =	shalt  }
0x85: {  	_ =	shalt  }
0x86: {  	_ =	shalt  }
0x87: {  	_ =	shalt  }
.Lfunc_end0:
.L_simem_size_0:
called_computation_lowered:
.L_overlay_start_0:
0x88: {  	s2 =	sld [smem:$0x3FD9]  }
0x89: {  	s3 =	sld [smem:$0x3FFE];
	_ =	sdelay $0x1  }
0x8a: {  	s1 =	srdreg.scid  }
0x8b: {  	s0 =	sand.u32 $0x1, s1  }
0x8c: {  	s14 =	sshll.u32 s0, $0xA;
	s2 =	sadd.s32 s3, s2  }
0x8d: {  	s2 =	sadd.s32 s2, s14  }
0x8e: {  	[smem:$0x3FC0] =	sst s2  }
0x8f: {  	_ = 	snop  }
0x90: {  	s2 =	sld [smem:$0x3FD0];
	_ =	sdelay $0x2  }
0x91: {  	s15 =	simm.s32 $0xA;
	s4 =	simm.s32 $0x10  }
0x92: {  	[smem:s4], [sflag:s15] =	dma.local [hbm:s2], $0x1  }
0x93: {  	_ =	swait.eq [sflag:s15], $0x1  }
0x94: {  	s16 =	sld [smem:$0x11];
	[sflag:s15] =	ssyncset.done $0x0  }
0x95: {  	s17 =	sld [smem:$0x12];
	[sflag:s15] =	ssyncadd.s32 $0xFFFFFFFF  }
0x96: {  	s18 =	sld [smem:$0x14];
	(tm) =	ssettm $0x1  }
0x97: {  	s5 =	sld [smem:$0x3FFB];
	_ =	sdelay $0x3  }
0x98: {  	_ =	strace s5  }
0x99: {  	s5 =	sld [smem:$0x3FFC];
	_ =	sdelay $0x3  }
0x9a: {  	_ =	strace s5  }
0x9b: {  	s5 =	sld [smem:$0x3FFD];
	_ =	sdelay $0x3  }
0x9c: {  	_ =	strace s5  }
0x9d: {  	_ =	strace $0x8FFFFFFF  }
0x9e: {  	s19 =	sld [smem:$0x3FDB];
	_ =	sdelay $0x1  }
0x9f: {  	s6 =	simm.s32 $_scs_section_size  }
0xa0: {  	s7 =	simm.s32 $_size__tile_overlayer_lowered;
	s8 =	simm.s32 $_tile_overlayer_lowered  }
0xa1: {  	s22 =	simm.s32 $0x1BFF;
	s21 =	sshll.u32 s8, $0x1;
	s5 =	sadd.s32 s6, s19  }
0xa2: {  	s9 =	simm.s32 $0x0;
	s20 =	sshll.u32 s7, $0x1;
	s7 =	sadd.s32 s21, s5  }
0xa3: {  	[timem:s9], [sflag:s22] =	dma.local [hbm:s7], s20  }
0xa4: {  	_ =	swait.ge [sflag:s22], s20  }
0xa5: {  	s6 =	ssub.s32 $0x0, s20;
	[sflag:s22] =	ssyncset.done $0x0  }
0xa6: {  	[sflag:s22] =	ssyncadd.s32 s6;
	_ =	sdelay $0x1  }
0xa7: {  	s23 =	simm.s32 $0x1B8B  }
0xa8: {  	_ =	swait.ge [sflag:s23], $0x1  }
0xa9: {  	[sflag:s23] =	ssyncset.done $0x0  }
0xaa: {  	s25 =	simm.s32 $0x1B8E;
	s24 =	sld [smem:$0x3FFE];
	[sflag:s23] =	ssyncadd.s32 $0xFFFFFFFF  }
0xab: {  	s26 =	simm.s32 $execute0_lowered;
	[smem:$0x3FD2] =	sst s25  }
0xac: {  	s7 =	sshll.u32 s26, $0x1;
	_ =	strace $0x80000046;
	[dreg:$0x1] =	wrdreg $0xFFFFFFFF  }
0xad: {  	s28 =	simm.s32 $_size_execute0_lowered;
	s5 =	sadd.s32 s5, s7;
	[dreg:$0x0] =	wrdreg $0x0  }
0xae: {  	s7 =	sshll.u32 s28, $0x1;
	[dreg:$0x2] =	wrdreg s5  }
0xaf: {  	[dreg:$0x3] =	wrdreg s7  }
0xb0: {  	[dreg:$0x4] =	wrdreg $0xC0  }
0xb1: {  	_ =	task [dreg:s9], $0x5FFFF  }
0xb2: {  	[dreg:$0x1] =	wrdreg $0xFFFFFFFF  }
0xb3: {  	[dreg:$0x0] =	wrdreg $0x60  }
0xb4: {  	[dreg:$0x2] =	wrdreg s16  }
0xb5: {  	[dreg:$0x3] =	wrdreg s17  }
0xb6: {  	[dreg:$0x4] =	wrdreg s24  }
0xb7: {  	[dreg:$0x5] =	wrdreg s18  }
0xb8: {  	[dreg:$0x6] =	wrdreg $0x9  }
0xb9: {  	_ =	task.clear_ibuf [dreg:s9], $0x7FFFF;
	_ =	strace $0x90000046  }
0xba: {  	s29 =	simm.s32 $0x9;
	_ =	strace $0x80000048  }
0xbb: {  	_ =	swait.ge [sflag:s29], $0x1  }
0xbc: {  	[sflag:s29] =	ssyncadd.s32 $0xFFFFFFFF  }
0xbd: {  	_ =	strace $0x90000048  }
0xbe: {  	_ =	sfence  }
0xbf: {  	s30 =	sld [smem:$0x0];
	_ =	sdelay $0x2  }
0xc0: {  	s31 =	sshll.u32 s1, $0xD;
	s1 =	sshrl.u32 s1, $0x2  }
0xc1: {  	s3 =	sand.u32 $0x4000, s31;
	s1 =	sadd.s32 s1, s30  }
0xc2: {  	s0 =	sor.u32 s3, s0;
	s1 =	sshll.u32 s1, $0x11  }
0xc3: {  	s0 =	sor.u32 s1, s0  }
0xc4: {  	s0 =	sadd.s32 $0x8F2B, s0  }
0xc5: {  	[sflag:s0] =	ssyncadd.remote.s32 $0x1  }
0xc6: {  	_ =	sfence.sel $0xFFFF  }
0xc7: {  	[dreg:$0x0] =	wrdreg $0xFFFFFFFF;
	(pc) =	sbr.abs _section_cstart, $3  }
0xc8: {  	[dreg:$0x1] =	wrdreg $0xFFFFFFFF  }
0xc9: {  	_ =	task.clear_ibuf [dreg:s9], $0x2FFFF;
	_ =	strace $0x9FFFFFFF  }
0xca: {  	(tm) =	ssettm $0x7FFFFFFF  }
0xcb: {  	_ =	shalt  }
tec
execute0_lowered:
.L_overlay_start_1:
0x0: {  	(tag) =	ssettag $0x1  }
0x1: {  	s9 =	rddreg [dreg:$0x0]  }
0x2: {  	s10 =	rddreg [dreg:$0x1]  }
0x3: {  	s3 =	rddreg [dreg:$0x2]  }
0x4: {  	s12 =	rddreg [dreg:$0x3];
	s2 =	srdreg.scid  }
0x5: {  	s0 =	rddreg [dreg:$0x4];
	s1 =	stileid.u32  }
0x6: {  	s18 =	simm.s32 $0x0;
	s4 =	sand.u32 $0x1, s2;
	s2 =	simm.s32 $0x0  }
0x7: {  	s16 =	sshll.u32 s1, $0x6;
	s5 =	sshll.u32 s4, $0xA;
	[smem:$0x7FF] =	sst s2  }
0x8: {  	s6 =	ssub.s32 $0x2, s4;
	s8 =	sshll.u32 s4, $0xC;
	s11 =	sor.u32 s16, s5  }
0x9: {  	_ =	strace $0x80000047;
	s29 =	sshrl.u32 s6, $0x1;
	s30 =	sor.u32 $0x400, s8  }
0xa: {  	s4 =	sadd.s32 s10, s8;
	s15 =	sor.u32 $0x800, s8;
	s17 =	sor.u32 $0xC00, s8  }
0xb: {  	v0 =	vmov s16;
	s16 =	simm.s32 $0x4000;
	s5 =	sshll.u32 s11, $0x7;
	s14 =	ssub.s32 s6, s29  }
0xc: {  	s6 =	sadd.s32 s10, s30;
	s7 =	sadd.s32 s9, s15;
	s31 =	sshrl.u32 s11, $0x3  }
0xd: {  	s13 =	sadd.s32 s5, s3;
	s3 =	sadd.s32 s9, s8;
	s5 =	sadd.s32 s9, s30  }
0xe: {  	s8 =	sadd.s32 s10, s15;
	s9 =	sadd.s32 s9, s17;
	s10 =	sadd.s32 s10, s17  }
0xf: {  	s12 =	sadd.s32 s12, s31;
	s15 =	simm.s32 $0x2000;
	s17 =	simm.s32 $0x14000  }
0x10: {  	v1 =	vimm.f32 $0.0e+00;
	v2 =	vimm.f32 $1.000000000e+00;
	s11 =	sadd.s32 $0x1600, s13;
	s13 =	smax.u32 s14, $0x1;
	s14 =	simm.s32 $0x1  }
.LBB2_1:
0x11: {  	s19 =	simm.s32 $0x0;
	s20 =	simm.s32 $0x1000  }
.LBB2_2:
0x12: {  	p0 =	sne.s32 s20, $0x3F000;
	[tilespmem:s19+$0x43F0] =	vst v1  }
0x13: {  	[tilespmem:s19+$0x4000] =	vst v1  }
0x14: {  	[tilespmem:s19+$0x4010] =	vst v1  }
0x15: {  	[tilespmem:s19+$0x4020] =	vst v1  }
0x16: {  	[tilespmem:s19+$0x4030] =	vst v1  }
0x17: {  	[tilespmem:s19+$0x4040] =	vst v1  }
0x18: {  	[tilespmem:s19+$0x4050] =	vst v1  }
0x19: {  	[tilespmem:s19+$0x4060] =	vst v1  }
0x1a: {  	[tilespmem:s19+$0x4070] =	vst v1  }
0x1b: {  	[tilespmem:s19+$0x4080] =	vst v1  }
0x1c: {  	[tilespmem:s19+$0x4090] =	vst v1  }
0x1d: {  	[tilespmem:s19+$0x40A0] =	vst v1  }
0x1e: {  	[tilespmem:s19+$0x40B0] =	vst v1  }
0x1f: {  	[tilespmem:s19+$0x40C0] =	vst v1  }
0x20: {  	[tilespmem:s19+$0x40D0] =	vst v1  }
0x21: {  	[tilespmem:s19+$0x40E0] =	vst v1  }
0x22: {  	[tilespmem:s19+$0x40F0] =	vst v1  }
0x23: {  	[tilespmem:s19+$0x4100] =	vst v1  }
0x24: {  	[tilespmem:s19+$0x4110] =	vst v1  }
0x25: {  	[tilespmem:s19+$0x4120] =	vst v1  }
0x26: {  	[tilespmem:s19+$0x4130] =	vst v1  }
0x27: {  	[tilespmem:s19+$0x4140] =	vst v1  }
0x28: {  	[tilespmem:s19+$0x4150] =	vst v1  }
0x29: {  	[tilespmem:s19+$0x4160] =	vst v1  }
0x2a: {  	[tilespmem:s19+$0x4170] =	vst v1  }
0x2b: {  	[tilespmem:s19+$0x4180] =	vst v1  }
0x2c: {  	[tilespmem:s19+$0x4190] =	vst v1  }
0x2d: {  	[tilespmem:s19+$0x41A0] =	vst v1  }
0x2e: {  	[tilespmem:s19+$0x41B0] =	vst v1  }
0x2f: {  	[tilespmem:s19+$0x41C0] =	vst v1  }
0x30: {  	[tilespmem:s19+$0x41D0] =	vst v1  }
0x31: {  	[tilespmem:s19+$0x41E0] =	vst v1  }
0x32: {  	[tilespmem:s19+$0x41F0] =	vst v1  }
0x33: {  	[tilespmem:s19+$0x4200] =	vst v1  }
0x34: {  	[tilespmem:s19+$0x4210] =	vst v1  }
0x35: {  	[tilespmem:s19+$0x4220] =	vst v1  }
0x36: {  	[tilespmem:s19+$0x4230] =	vst v1  }
0x37: {  	[tilespmem:s19+$0x4240] =	vst v1  }
0x38: {  	[tilespmem:s19+$0x4250] =	vst v1  }
0x39: {  	[tilespmem:s19+$0x4260] =	vst v1  }
0x3a: {  	[tilespmem:s19+$0x4270] =	vst v1  }
0x3b: {  	[tilespmem:s19+$0x4280] =	vst v1  }
0x3c: {  	[tilespmem:s19+$0x4290] =	vst v1  }
0x3d: {  	[tilespmem:s19+$0x42A0] =	vst v1  }
0x3e: {  	[tilespmem:s19+$0x42B0] =	vst v1  }
0x3f: {  	[tilespmem:s19+$0x42C0] =	vst v1  }
0x40: {  	[tilespmem:s19+$0x42D0] =	vst v1  }
0x41: {  	[tilespmem:s19+$0x42E0] =	vst v1  }
0x42: {  	[tilespmem:s19+$0x42F0] =	vst v1  }
0x43: {  	[tilespmem:s19+$0x4300] =	vst v1  }
0x44: {  	[tilespmem:s19+$0x4310] =	vst v1  }
0x45: {  	[tilespmem:s19+$0x4320] =	vst v1  }
0x46: {  	[tilespmem:s19+$0x4330] =	vst v1  }
0x47: {  	[tilespmem:s19+$0x4340] =	vst v1  }
0x48: {  	[tilespmem:s19+$0x4350] =	vst v1  }
0x49: {  	[tilespmem:s19+$0x4360] =	vst v1  }
0x4a: {  	[tilespmem:s19+$0x4370] =	vst v1  }
0x4b: {  	[tilespmem:s19+$0x4380] =	vst v1  }
0x4c: {  	[tilespmem:s19+$0x4390] =	vst v1  }
.Ltmp0:
0x4d: {  	[tilespmem:s19+$0x43A0] =	vst v1;
	(pc) =	sbr.rel @p0 .LBB2_2-.Ltmp0, $4  }
0x4e: {  	[tilespmem:s19+$0x43B0] =	vst v1  }
0x4f: {  	[tilespmem:s19+$0x43C0] =	vst v1  }
0x50: {  	[tilespmem:s19+$0x43D0] =	vst v1  }
0x51: {  	[tilespmem:s19+$0x43E0] =	vst v1;
	s19 =	sshra.s32 s20, $0x2;
	s20 =	sadd.s32 $0x1000, s20  }
0x52: {  	[tilespmem:s19+$0x43F0] =	vst v1  }
0x53: {  	[tilespmem:s19+$0x4000] =	vst v1  }
0x54: {  	[tilespmem:s19+$0x4010] =	vst v1  }
0x55: {  	[tilespmem:s19+$0x4020] =	vst v1  }
0x56: {  	[tilespmem:s19+$0x4030] =	vst v1  }
0x57: {  	[tilespmem:s19+$0x4040] =	vst v1  }
0x58: {  	[tilespmem:s19+$0x4050] =	vst v1  }
0x59: {  	[tilespmem:s19+$0x4060] =	vst v1  }
0x5a: {  	[tilespmem:s19+$0x4070] =	vst v1  }
0x5b: {  	[tilespmem:s19+$0x4080] =	vst v1  }
0x5c: {  	[tilespmem:s19+$0x4090] =	vst v1  }
0x5d: {  	[tilespmem:s19+$0x40A0] =	vst v1  }
0x5e: {  	[tilespmem:s19+$0x40B0] =	vst v1  }
0x5f: {  	[tilespmem:s19+$0x40C0] =	vst v1  }
0x60: {  	[tilespmem:s19+$0x40D0] =	vst v1  }
0x61: {  	[tilespmem:s19+$0x40E0] =	vst v1  }
0x62: {  	[tilespmem:s19+$0x40F0] =	vst v1  }
0x63: {  	[tilespmem:s19+$0x4100] =	vst v1  }
0x64: {  	[tilespmem:s19+$0x4110] =	vst v1  }
0x65: {  	[tilespmem:s19+$0x4120] =	vst v1  }
0x66: {  	[tilespmem:s19+$0x4130] =	vst v1  }
0x67: {  	[tilespmem:s19+$0x4140] =	vst v1  }
0x68: {  	[tilespmem:s19+$0x4150] =	vst v1  }
0x69: {  	[tilespmem:s19+$0x4160] =	vst v1  }
0x6a: {  	[tilespmem:s19+$0x4170] =	vst v1  }
0x6b: {  	[tilespmem:s19+$0x4180] =	vst v1  }
0x6c: {  	[tilespmem:s19+$0x4190] =	vst v1  }
0x6d: {  	[tilespmem:s19+$0x41A0] =	vst v1  }
0x6e: {  	[tilespmem:s19+$0x41B0] =	vst v1  }
0x6f: {  	[tilespmem:s19+$0x41C0] =	vst v1  }
0x70: {  	[tilespmem:s19+$0x41D0] =	vst v1  }
0x71: {  	[tilespmem:s19+$0x41E0] =	vst v1  }
0x72: {  	[tilespmem:s19+$0x41F0] =	vst v1  }
0x73: {  	[tilespmem:s19+$0x4200] =	vst v1  }
0x74: {  	[tilespmem:s19+$0x4210] =	vst v1  }
0x75: {  	[tilespmem:s19+$0x4220] =	vst v1  }
0x76: {  	[tilespmem:s19+$0x4230] =	vst v1  }
0x77: {  	[tilespmem:s19+$0x4240] =	vst v1  }
0x78: {  	[tilespmem:s19+$0x4250] =	vst v1  }
0x79: {  	[tilespmem:s19+$0x4260] =	vst v1  }
0x7a: {  	[tilespmem:s19+$0x4270] =	vst v1  }
0x7b: {  	[tilespmem:s19+$0x4280] =	vst v1  }
0x7c: {  	[tilespmem:s19+$0x4290] =	vst v1  }
0x7d: {  	[tilespmem:s19+$0x42A0] =	vst v1  }
0x7e: {  	[tilespmem:s19+$0x42B0] =	vst v1  }
0x7f: {  	[tilespmem:s19+$0x42C0] =	vst v1  }
0x80: {  	[tilespmem:s19+$0x42D0] =	vst v1  }
0x81: {  	[tilespmem:s19+$0x42E0] =	vst v1  }
0x82: {  	[tilespmem:s19+$0x42F0] =	vst v1  }
0x83: {  	[tilespmem:s19+$0x4300] =	vst v1  }
0x84: {  	[tilespmem:s19+$0x4310] =	vst v1  }
0x85: {  	[tilespmem:s19+$0x4320] =	vst v1  }
0x86: {  	[tilespmem:s19+$0x4330] =	vst v1  }
0x87: {  	[tilespmem:s19+$0x4340] =	vst v1  }
0x88: {  	[tilespmem:s19+$0x4350] =	vst v1  }
0x89: {  	[tilespmem:s19+$0x4360] =	vst v1  }
0x8a: {  	[tilespmem:s19+$0x4370] =	vst v1  }
0x8b: {  	[tilespmem:s19+$0x4380] =	vst v1  }
0x8c: {  	[tilespmem:s19+$0x4390] =	vst v1  }
0x8d: {  	[tilespmem:s19+$0x43A0] =	vst v1  }
0x8e: {  	[tilespmem:s19+$0x43B0] =	vst v1  }
0x8f: {  	[tilespmem:s19+$0x43C0] =	vst v1  }
0x90: {  	[tilespmem:s19+$0x43D0] =	vst v1  }
0x91: {  	[tilespmem:s19+$0x43E0] =	vst v1  }
0x92: {  	[tilespmem:$0x14000] =	vst v1  }
0x93: {  	[tilespmem:$0x14010] =	vst v1  }
0x94: {  	[tilespmem:$0x14020] =	vst v1  }
0x95: {  	s19 =	simm.s32 $0x0;
	[tilespmem:$0x14030] =	vst v1  }
0x96: {  	[tilespmem:s19], [sflag:$0x1] =	stream.linear.gather [hbm4b:s3+s19], $0x2000, $0x38;
	[tilespmem:$0x14080] =	vst v63  }
0x97: {  	_ =	swait.ge [sflag:s14], $0x2000  }
0x98: {  	[sflag:s14] =	ssyncset.done $0x0  }
0x99: {  	[sflag:s14] =	ssyncadd.s32 $0xFFFFE000  }
0x9a: {  	[tilespmem:s15], [sflag:$0x1] =	stream.linear.gather [hbm4b:s4+s19], $0x2000, $0x38;
	[tilespmem:$0x14080] =	vst v63  }
0x9b: {  	_ =	swait.ge [sflag:s14], $0x2000  }
0x9c: {  	[sflag:s14] =	ssyncset.done $0x0  }
0x9d: {  	[sflag:s14] =	ssyncadd.s32 $0xFFFFE000  }
.LBB2_4:
0x9e: {  	s20 =	sshra.s32 s19, $0x2  }
0x9f: {  	v3 =	vld [tilespmem:s20+$0x2000];
	_ =	sdelay $0x2  }
0xa0: {  	v4 =	vld [tilespmem:s20+$0x0];
	_ =	sdelay $0x1  }
0xa1: {  	v3 =	vsub.s32 v3, v0  }
0xa2: {  	vm0 =	vlt.u32 v3, $0x40  }
0xa3: {  	v3 =	vnsel vm0, $0x0, v3  }
0xa4: {  	v4 =	vnsel vm0, $0x0, v4;
	v5 =	vshll.u32 v3, $0xA  }
0xa5: {  	v4 =	vadd.s32 v4, v5;
	_ =	sdelay $0x4  }
0xa6: {  	[tilespmem:v4+s16+$0x0] =	vst.idx.add.f32.msk vm0, v2  }
0xa7: {  	[tilespmem:v3+s17+$0x0] =	vst.idx.add.f32.msk vm0, v2  }
0xa8: {  	v3 =	vld [tilespmem:s20+$0x2010];
	_ =	sdelay $0x2  }
0xa9: {  	v4 =	vld [tilespmem:s20+$0x10];
	_ =	sdelay $0x1  }
0xaa: {  	v3 =	vsub.s32 v3, v0  }
0xab: {  	vm13 =	vlt.u32 v3, $0x40  }
0xac: {  	v3 =	vnsel vm13, $0x0, v3  }
0xad: {  	v4 =	vnsel vm13, $0x0, v4;
	v61 =	vshll.u32 v3, $0xA  }
0xae: {  	v4 =	vadd.s32 v4, v61;
	_ =	sdelay $0x4  }
0xaf: {  	[tilespmem:v4+s16+$0x0] =	vst.idx.add.f32.msk vm13, v2  }
0xb0: {  	[tilespmem:v3+s17+$0x0] =	vst.idx.add.f32.msk vm13, v2  }
0xb1: {  	v3 =	vld [tilespmem:s20+$0x2020];
	_ =	sdelay $0x2  }
0xb2: {  	v4 =	vld [tilespmem:s20+$0x20];
	_ =	sdelay $0x1  }
0xb3: {  	v3 =	vsub.s32 v3, v0  }
0xb4: {  	vm14 =	vlt.u32 v3, $0x40  }
0xb5: {  	v3 =	vnsel vm14, $0x0, v3  }
0xb6: {  	v4 =	vnsel vm14, $0x0, v4;
	v62 =	vshll.u32 v3, $0xA  }
0xb7: {  	v4 =	vadd.s32 v4, v62;
	_ =	sdelay $0x4  }
0xb8: {  	[tilespmem:v4+s16+$0x0] =	vst.idx.add.f32.msk vm14, v2  }
0xb9: {  	[tilespmem:v3+s17+$0x0] =	vst.idx.add.f32.msk vm14, v2  }
0xba: {  	v3 =	vld [tilespmem:s20+$0x2030];
	_ =	sdelay $0x2  }
0xbb: {  	v4 =	vld [tilespmem:s20+$0x30];
	_ =	sdelay $0x1  }
0xbc: {  	v3 =	vsub.s32 v3, v0  }
0xbd: {  	vm15 =	vlt.u32 v3, $0x40  }
0xbe: {  	v3 =	vnsel vm15, $0x0, v3  }
0xbf: {  	v4 =	vnsel vm15, $0x0, v4;
	v63 =	vshll.u32 v3, $0xA  }
0xc0: {  	v4 =	vadd.s32 v4, v63  }
0xc1: {  	p0 =	sne.s32 s19, $0x7F00  }
.Ltmp1:
0xc2: {  	_ = 	snop;
	(pc) =	sbr.rel @p0 .LBB2_4-.Ltmp1, $3  }
0xc3: {  	_ =	sdelay $0x1  }
0xc4: {  	[tilespmem:v4+s16+$0x0] =	vst.idx.add.f32.msk vm15, v2  }
0xc5: {  	s19 =	sadd.s32 $0x100, s19;
	[tilespmem:v3+s17+$0x0] =	vst.idx.add.f32.msk vm15, v2  }
0xc6: {  	s19 =	simm.s32 $0x0  }
0xc7: {  	[tilespmem:s19], [sflag:$0x1] =	stream.linear.gather [hbm4b:s5+s19], $0x2000, $0x38;
	[tilespmem:$0x14080] =	vst v63  }
0xc8: {  	_ =	swait.ge [sflag:s14], $0x2000  }
0xc9: {  	[sflag:s14] =	ssyncset.done $0x0  }
0xca: {  	[sflag:s14] =	ssyncadd.s32 $0xFFFFE000  }
0xcb: {  	[tilespmem:s15], [sflag:$0x1] =	stream.linear.gather [hbm4b:s6+s19], $0x2000, $0x38;
	[tilespmem:$0x14080] =	vst v63  }
0xcc: {  	_ =	swait.ge [sflag:s14], $0x2000  }
0xcd: {  	[sflag:s14] =	ssyncset.done $0x0  }
0xce: {  	[sflag:s14] =	ssyncadd.s32 $0xFFFFE000  }
.LBB2_6:
0xcf: {  	s20 =	sshra.s32 s19, $0x2  }
0xd0: {  	v3 =	vld [tilespmem:s20+$0x2000];
	_ =	sdelay $0x2  }
0xd1: {  	v4 =	vld [tilespmem:s20+$0x0];
	_ =	sdelay $0x1  }
0xd2: {  	v3 =	vsub.s32 v3, v0  }
0xd3: {  	vm0 =	vlt.u32 v3, $0x40  }
0xd4: {  	v3 =	vnsel vm0, $0x0, v3  }
0xd5: {  	v4 =	vnsel vm0, $0x0, v4;
	v5 =	vshll.u32 v3, $0xA  }
0xd6: {  	v4 =	vadd.s32 v4, v5;
	_ =	sdelay $0x4  }
0xd7: {  	[tilespmem:v4+s16+$0x0] =	vst.idx.add.f32.msk vm0, v2  }
0xd8: {  	[tilespmem:v3+s17+$0x0] =	vst.idx.add.f32.msk vm0, v2  }
0xd9: {  	v3 =	vld [tilespmem:s20+$0x2010];
	_ =	sdelay $0x2  }
0xda: {  	v4 =	vld [tilespmem:s20+$0x10];
	_ =	sdelay $0x1  }
0xdb: {  	v3 =	vsub.s32 v3, v0  }
0xdc: {  	vm13 =	vlt.u32 v3, $0x40  }
0xdd: {  	v3 =	vnsel vm13, $0x0, v3  }
0xde: {  	v4 =	vnsel vm13, $0x0, v4;
	v61 =	vshll.u32 v3, $0xA  }
0xdf: {  	v4 =	vadd.s32 v4, v61;
	_ =	sdelay $0x4  }
0xe0: {  	[tilespmem:v4+s16+$0x0] =	vst.idx.add.f32.msk vm13, v2  }
0xe1: {  	[tilespmem:v3+s17+$0x0] =	vst.idx.add.f32.msk vm13, v2  }
0xe2: {  	v3 =	vld [tilespmem:s20+$0x2020];
	_ =	sdelay $0x2  }
0xe3: {  	v4 =	vld [tilespmem:s20+$0x20];
	_ =	sdelay $0x1  }
0xe4: {  	v3 =	vsub.s32 v3, v0  }
0xe5: {  	vm14 =	vlt.u32 v3, $0x40  }
0xe6: {  	v3 =	vnsel vm14, $0x0, v3  }
0xe7: {  	v4 =	vnsel vm14, $0x0, v4;
	v62 =	vshll.u32 v3, $0xA  }
0xe8: {  	v4 =	vadd.s32 v4, v62;
	_ =	sdelay $0x4  }
0xe9: {  	[tilespmem:v4+s16+$0x0] =	vst.idx.add.f32.msk vm14, v2  }
0xea: {  	[tilespmem:v3+s17+$0x0] =	vst.idx.add.f32.msk vm14, v2  }
0xeb: {  	v3 =	vld [tilespmem:s20+$0x2030];
	_ =	sdelay $0x2  }
0xec: {  	v4 =	vld [tilespmem:s20+$0x30];
	_ =	sdelay $0x1  }
0xed: {  	v3 =	vsub.s32 v3, v0  }
0xee: {  	vm15 =	vlt.u32 v3, $0x40  }
0xef: {  	v3 =	vnsel vm15, $0x0, v3  }
0xf0: {  	v4 =	vnsel vm15, $0x0, v4;
	v63 =	vshll.u32 v3, $0xA  }
0xf1: {  	v4 =	vadd.s32 v4, v63  }
0xf2: {  	p0 =	sne.s32 s19, $0x7F00  }
.Ltmp2:
0xf3: {  	_ = 	snop;
	(pc) =	sbr.rel @p0 .LBB2_6-.Ltmp2, $3  }
0xf4: {  	_ =	sdelay $0x1  }
0xf5: {  	[tilespmem:v4+s16+$0x0] =	vst.idx.add.f32.msk vm15, v2  }
0xf6: {  	s19 =	sadd.s32 $0x100, s19;
	[tilespmem:v3+s17+$0x0] =	vst.idx.add.f32.msk vm15, v2  }
0xf7: {  	s19 =	simm.s32 $0x0  }
0xf8: {  	[tilespmem:s19], [sflag:$0x1] =	stream.linear.gather [hbm4b:s7+s19], $0x2000, $0x38;
	[tilespmem:$0x14080] =	vst v63  }
0xf9: {  	_ =	swait.ge [sflag:s14], $0x2000  }
0xfa: {  	[sflag:s14] =	ssyncset.done $0x0  }
0xfb: {  	[sflag:s14] =	ssyncadd.s32 $0xFFFFE000  }
0xfc: {  	[tilespmem:s15], [sflag:$0x1] =	stream.linear.gather [hbm4b:s8+s19], $0x2000, $0x38;
	[tilespmem:$0x14080] =	vst v63  }
0xfd: {  	_ =	swait.ge [sflag:s14], $0x2000  }
0xfe: {  	[sflag:s14] =	ssyncset.done $0x0  }
0xff: {  	[sflag:s14] =	ssyncadd.s32 $0xFFFFE000  }
.LBB2_8:
0x100: {  	s20 =	sshra.s32 s19, $0x2  }
0x101: {  	v3 =	vld [tilespmem:s20+$0x2000];
	_ =	sdelay $0x2  }
0x102: {  	v4 =	vld [tilespmem:s20+$0x0];
	_ =	sdelay $0x1  }
0x103: {  	v3 =	vsub.s32 v3, v0  }
0x104: {  	vm0 =	vlt.u32 v3, $0x40  }
0x105: {  	v3 =	vnsel vm0, $0x0, v3  }
0x106: {  	v4 =	vnsel vm0, $0x0, v4;
	v5 =	vshll.u32 v3, $0xA  }
0x107: {  	v4 =	vadd.s32 v4, v5;
	_ =	sdelay $0x4  }
0x108: {  	[tilespmem:v4+s16+$0x0] =	vst.idx.add.f32.msk vm0, v2  }
0x109: {  	[tilespmem:v3+s17+$0x0] =	vst.idx.add.f32.msk vm0, v2  }
0x10a: {  	v3 =	vld [tilespmem:s20+$0x2010];
	_ =	sdelay $0x2  }
0x10b: {  	v4 =	vld [tilespmem:s20+$0x10];
	_ =	sdelay $0x1  }
0x10c: {  	v3 =	vsub.s32 v3, v0  }
0x10d: {  	vm13 =	vlt.u32 v3, $0x40  }
0x10e: {  	v3 =	vnsel vm13, $0x0, v3  }
0x10f: {  	v4 =	vnsel vm13, $0x0, v4;
	v61 =	vshll.u32 v3, $0xA  }
0x110: {  	v4 =	vadd.s32 v4, v61;
	_ =	sdelay $0x4  }
0x111: {  	[tilespmem:v4+s16+$0x0] =	vst.idx.add.f32.msk vm13, v2  }
0x112: {  	[tilespmem:v3+s17+$0x0] =	vst.idx.add.f32.msk vm13, v2  }
0x113: {  	v3 =	vld [tilespmem:s20+$0x2020];
	_ =	sdelay $0x2  }
0x114: {  	v4 =	vld [tilespmem:s20+$0x20];
	_ =	sdelay $0x1  }
0x115: {  	v3 =	vsub.s32 v3, v0  }
0x116: {  	vm14 =	vlt.u32 v3, $0x40  }
0x117: {  	v3 =	vnsel vm14, $0x0, v3  }
0x118: {  	v4 =	vnsel vm14, $0x0, v4;
	v62 =	vshll.u32 v3, $0xA  }
0x119: {  	v4 =	vadd.s32 v4, v62;
	_ =	sdelay $0x4  }
0x11a: {  	[tilespmem:v4+s16+$0x0] =	vst.idx.add.f32.msk vm14, v2  }
0x11b: {  	[tilespmem:v3+s17+$0x0] =	vst.idx.add.f32.msk vm14, v2  }
0x11c: {  	v3 =	vld [tilespmem:s20+$0x2030];
	_ =	sdelay $0x2  }
0x11d: {  	v4 =	vld [tilespmem:s20+$0x30];
	_ =	sdelay $0x1  }
0x11e: {  	v3 =	vsub.s32 v3, v0  }
0x11f: {  	vm15 =	vlt.u32 v3, $0x40  }
0x120: {  	v3 =	vnsel vm15, $0x0, v3  }
0x121: {  	v4 =	vnsel vm15, $0x0, v4;
	v63 =	vshll.u32 v3, $0xA  }
0x122: {  	v4 =	vadd.s32 v4, v63  }
0x123: {  	p0 =	sne.s32 s19, $0x7F00  }
.Ltmp3:
0x124: {  	_ = 	snop;
	(pc) =	sbr.rel @p0 .LBB2_8-.Ltmp3, $3  }
0x125: {  	_ =	sdelay $0x1  }
0x126: {  	[tilespmem:v4+s16+$0x0] =	vst.idx.add.f32.msk vm15, v2  }
0x127: {  	s19 =	sadd.s32 $0x100, s19;
	[tilespmem:v3+s17+$0x0] =	vst.idx.add.f32.msk vm15, v2  }
0x128: {  	s19 =	simm.s32 $0x0  }
0x129: {  	[tilespmem:s19], [sflag:$0x1] =	stream.linear.gather [hbm4b:s9+s19], $0x2000, $0x38;
	[tilespmem:$0x14080] =	vst v63  }
0x12a: {  	_ =	swait.ge [sflag:s14], $0x2000  }
0x12b: {  	[sflag:s14] =	ssyncset.done $0x0  }
0x12c: {  	[sflag:s14] =	ssyncadd.s32 $0xFFFFE000  }
0x12d: {  	[tilespmem:s15], [sflag:$0x1] =	stream.linear.gather [hbm4b:s10+s19], $0x2000, $0x38;
	[tilespmem:$0x14080] =	vst v63  }
0x12e: {  	_ =	swait.ge [sflag:s14], $0x2000  }
0x12f: {  	[sflag:s14] =	ssyncset.done $0x0  }
0x130: {  	[sflag:s14] =	ssyncadd.s32 $0xFFFFE000  }
.LBB2_10:
0x131: {  	s20 =	sshra.s32 s19, $0x2  }
0x132: {  	v3 =	vld [tilespmem:s20+$0x2000];
	_ =	sdelay $0x2  }
0x133: {  	v4 =	vld [tilespmem:s20+$0x0];
	_ =	sdelay $0x1  }
0x134: {  	v3 =	vsub.s32 v3, v0  }
0x135: {  	vm0 =	vlt.u32 v3, $0x40  }
0x136: {  	v3 =	vnsel vm0, $0x0, v3  }
0x137: {  	v4 =	vnsel vm0, $0x0, v4;
	v5 =	vshll.u32 v3, $0xA  }
0x138: {  	v4 =	vadd.s32 v4, v5;
	_ =	sdelay $0x4  }
0x139: {  	[tilespmem:v4+s16+$0x0] =	vst.idx.add.f32.msk vm0, v2  }
0x13a: {  	[tilespmem:v3+s17+$0x0] =	vst.idx.add.f32.msk vm0, v2  }
0x13b: {  	v3 =	vld [tilespmem:s20+$0x2010];
	_ =	sdelay $0x2  }
0x13c: {  	v4 =	vld [tilespmem:s20+$0x10];
	_ =	sdelay $0x1  }
0x13d: {  	v3 =	vsub.s32 v3, v0  }
0x13e: {  	vm13 =	vlt.u32 v3, $0x40  }
0x13f: {  	v3 =	vnsel vm13, $0x0, v3  }
0x140: {  	v4 =	vnsel vm13, $0x0, v4;
	v61 =	vshll.u32 v3, $0xA  }
0x141: {  	v4 =	vadd.s32 v4, v61;
	_ =	sdelay $0x4  }
0x142: {  	[tilespmem:v4+s16+$0x0] =	vst.idx.add.f32.msk vm13, v2  }
0x143: {  	[tilespmem:v3+s17+$0x0] =	vst.idx.add.f32.msk vm13, v2  }
0x144: {  	v3 =	vld [tilespmem:s20+$0x2020];
	_ =	sdelay $0x2  }
0x145: {  	v4 =	vld [tilespmem:s20+$0x20];
	_ =	sdelay $0x1  }
0x146: {  	v3 =	vsub.s32 v3, v0  }
0x147: {  	vm14 =	vlt.u32 v3, $0x40  }
0x148: {  	v3 =	vnsel vm14, $0x0, v3  }
0x149: {  	v4 =	vnsel vm14, $0x0, v4;
	v62 =	vshll.u32 v3, $0xA  }
0x14a: {  	v4 =	vadd.s32 v4, v62;
	_ =	sdelay $0x4  }
0x14b: {  	[tilespmem:v4+s16+$0x0] =	vst.idx.add.f32.msk vm14, v2  }
0x14c: {  	[tilespmem:v3+s17+$0x0] =	vst.idx.add.f32.msk vm14, v2  }
0x14d: {  	v3 =	vld [tilespmem:s20+$0x2030];
	_ =	sdelay $0x2  }
0x14e: {  	v4 =	vld [tilespmem:s20+$0x30];
	_ =	sdelay $0x1  }
0x14f: {  	v3 =	vsub.s32 v3, v0  }
0x150: {  	vm15 =	vlt.u32 v3, $0x40  }
0x151: {  	v3 =	vnsel vm15, $0x0, v3  }
0x152: {  	v4 =	vnsel vm15, $0x0, v4;
	v63 =	vshll.u32 v3, $0xA  }
0x153: {  	v4 =	vadd.s32 v4, v63  }
0x154: {  	p0 =	sne.s32 s19, $0x7F00  }
.Ltmp4:
0x155: {  	_ = 	snop;
	(pc) =	sbr.rel @p0 .LBB2_10-.Ltmp4, $3  }
0x156: {  	_ =	sdelay $0x1  }
0x157: {  	[tilespmem:v4+s16+$0x0] =	vst.idx.add.f32.msk vm15, v2  }
0x158: {  	s19 =	sadd.s32 $0x100, s19;
	[tilespmem:v3+s17+$0x0] =	vst.idx.add.f32.msk vm15, v2  }
0x159: {  	[hbm4b:s11+s2] =	stream.linear.scatter [tilespmem:s16], [sflag:$0x1], $0x10000, $0x38;
	[tilespmem:$0x14080] =	vst v63  }
0x15a: {  	s18 =	sadd.s32 $0x1, s18;
	_ =	swait.ge [sflag:s14], $0x10000  }
0x15b: {  	p0 =	sne.s32 s18, s13;
	[sflag:s14] =	ssyncset.done $0x0  }
.Ltmp5:
0x15c: {  	[sflag:s14] =	ssyncadd.s32 $0xFFFF0000;
	(pc) =	sbr.rel @p0 .LBB2_1-.Ltmp5, $4  }
0x15d: {  	[hbm4b:s12+s2] =	stream.linear.scatter [tilespmem:s17], [sflag:$0x1], $0x40, $0x38;
	[tilespmem:$0x14080] =	vst v63  }
0x15e: {  	_ =	swait.ge [sflag:s14], $0x40  }
0x15f: {  	[sflag:s14] =	ssyncset.done $0x0  }
0x160: {  	[sflag:s14] =	ssyncadd.s32 $0xFFFFFFC0  }
0x161: {  	_ =	sfence.sel $0x180000  }
0x162: {  	[bflag:$0x0] =	sbarrier.arrive $0xFFFF  }
0x163: {  	p0 =	sne.s32 s1, $0x0;
	_ =	strace $0x90000047  }
0x164: {  	s0 =	sadd.s32 @!p0 $0x100000, s0;
	[bflag:$0x2] =	sbarrier.arrive $0xFFFF  }
0x165: {  	[sflag:s0] =	ssyncadd.tile.s32 @!p0 $0x1;
	_ =	shalt  }
.Lfunc_end2:
_tile_overlayer_lowered:
.L_overlay_start_2:
0x166: {  	(tag) =	ssettag $0x2  }
0x167: {  	s0 =	rddreg [dreg:$0x0];
	s2 =	stileid.u32  }
0x168: {  	s1 =	rddreg [dreg:$0x1];
	p0 =	sne.s32 s2, $0x0  }
0x169: {  	s3 =	rddreg [dreg:$0x2];
	[bflag:$0x3] =	sbarrier.arrive $0xFFFF;
	s2 =	simm.s32 @!p0 $0x1C01  }
0x16a: {  	[timem:s3], [sflag:s2] =	dma.local @!p0 [hbm:s0], s1  }
0x16b: {  	s0 =	simm.s32 @!p0 $0x1  }
0x16c: {  	_ =	swait.ge @!p0 [sflag:s0], s1  }
0x16d: {  	s1 =	ssub.s32 @!p0 $0x0, s1;
	[sflag:s0] =	ssyncset.done @!p0 $0x0  }
0x16e: {  	[sflag:s0] =	ssyncadd.s32 @!p0 s1  }
0x16f: {  	[bflag:$0x3] =	sbarrier.arrive $0xFFFF  }
0x170: {  	_ =	shalt  }

</sc_bundles>
